<compile_context>
chip_gen: v7x
topology: tpu7x:2x2x1
jax: 0.10.2.dev20260603
libtpu: 0.0.44.dev20260713+nightly
codegen_flags: <defaults>
</compile_context>

<pallas_src>
import functools

import jax
import jax.numpy as jnp
from jax import lax
from jax.experimental import pallas as pl
from jax.experimental.pallas import tpu as pltpu
from jax.experimental.pallas import tpu_sc as plsc

BATCH = 16384
DIM = 64
L = 16
FIRE = 2
RING = 4


def _gather_call(ids, table_t, num_cores, b_per_w):
    mesh = plsc.VectorSubcoreMesh(core_axis_name="c", subcore_axis_name="s")

    @functools.partial(
        pl.kernel,
        mesh=mesh,
        out_type=jax.ShapeDtypeStruct((DIM, BATCH), jnp.float32),
        compiler_params=pltpu.CompilerParams(needs_layout_passes=False),
        scratch_types=[
            pltpu.VMEM((b_per_w,), jnp.int32),
            pltpu.VMEM((RING, FIRE, DIM, 2 * DIM), jnp.float32),
            pltpu.VMEM((DIM, b_per_w), jnp.float32),
            pltpu.SemaphoreType.DMA,
        ],
    )
    def k(ids_hbm, table_hbm, out_hbm, ids_v, slab_v, rows_v, sem):
        wid = lax.axis_index("s") * num_cores + lax.axis_index("c")
        base = wid * b_per_w
        pltpu.sync_copy(ids_hbm.at[pl.ds(base, b_per_w)], ids_v)
        iota16 = lax.iota(jnp.int32, L)
        n_sub = b_per_w // FIRE

        n_per_vec = L // FIRE

        def scalar_id(sg, f):
            vec = ids_v[pl.ds((sg // n_per_vec) * L, L)]
            t = lax.rem(sg, n_per_vec) * FIRE + f
            return jnp.sum(jnp.where(iota16 == t, vec, 0))

        def fire(sg, buf):
            for f in range(FIRE):
                q = scalar_id(sg, f) >> 7
                pltpu.async_copy(
                    table_hbm.at[:, pl.ds(pl.multiple_of(q * 128, 128), 128)],
                    slab_v.at[buf, f],
                    sem,
                )

        for p in range(RING - 1):
            fire(p, p)

        def group(sg, carry):
            buf = lax.rem(sg, RING)

            @pl.when(sg + RING - 1 < n_sub)
            def _():
                fire(sg + RING - 1, lax.rem(sg + RING - 1, RING))

            for f in range(FIRE):
                pltpu.make_async_copy(
                    table_hbm.at[:, pl.ds(0, 128)], slab_v.at[buf, f], sem
                ).wait()
            for f in range(FIRE):
                i_s = scalar_id(sg, f)
                kk = sg * FIRE + f
                l_vec = jnp.full((L,), i_s & 127, jnp.int32)
                kk_vec = jnp.full((L,), kk, jnp.int32)
                for h in range(DIM // L):
                    j_vec = iota16 + h * L
                    vals = plsc.load_gather(slab_v.at[buf, f], [j_vec, l_vec])
                    plsc.store_scatter(rows_v, [j_vec, kk_vec], vals)
            return carry

        lax.fori_loop(0, n_sub, group, 0)
        pltpu.sync_copy(rows_v, out_hbm.at[:, pl.ds(base, b_per_w)])

    return k(ids, table_t)


def kernel(style_ids, embeddings):
    info = plsc.get_sparse_core_info()
    n_workers = info.num_cores * info.num_subcores
    b_per_w = BATCH // n_workers
    ids = style_ids.astype(jnp.int32)
    out_t = _gather_call(ids, embeddings.T, info.num_cores, b_per_w)
    return out_t.T

# --- scband reference (transcript-rebuilt; emitter-appended) ---
"""Pipeline reference for scband-style-embedding-17076789969211 (READ-ONLY COPY).

The authoritative reference and input builder live on the scoring server;
editing this copy changes nothing except your own understanding.
"""

import jax, jax.numpy as jnp
import numpy as np

NUM_STYLES = 1000000
STYLE_DIM = 64
BATCH = 16384

def setup_inputs(seed: int = 0) -> dict:
    key = jax.random.key(seed)
    k1, k2 = jax.random.split(key)
    style_ids = jax.random.randint(k1, (BATCH,), 0, NUM_STYLES, dtype=jnp.int64 if jax.config.jax_enable_x64 else jnp.int32)
    # Embedding table initialized like nn.Embedding (normal(0,1))
    embeddings = jax.random.normal(k2, (NUM_STYLES, STYLE_DIM), dtype=jnp.float32)
    return {"style_ids": style_ids, "embeddings": embeddings}

def reference(style_ids, embeddings):
    # StyleEmbedding.forward: pure embedding lookup
    return jnp.take(embeddings, style_ids, axis=0)

if __name__ == "__main__":
    import jax
    _d = setup_inputs()
    print(jax.jit(kernel)(*tuple(_d.values())))

</pallas_src>

<mosaic_0001>
#map = affine_map<(d0, d1) -> (0)>
#map1 = affine_map<(d0, d1) -> (0, 0)>
module attributes {stable_mosaic.version = 14 : i64} {
  func.func @k(%arg0: i32, %arg1: i32, %arg2: memref<16384xi32, #tpu.memory_space<hbm>>, %arg3: memref<64x1000000xf32, #tpu.memory_space<hbm>>, %arg4: memref<64x16384xf32, #tpu.memory_space<hbm>>, %arg5: memref<512xi32, #tpu.memory_space<vmem>>, %arg6: memref<4x2x64x128xf32, #tpu.memory_space<vmem>>, %arg7: memref<64x512xf32, #tpu.memory_space<vmem>>, %arg8: memref<!tpu.dma_semaphore, #tpu.memory_space<semaphore_mem>>) attributes {dimension_semantics = [#tpu.dimension_semantics<core_parallel>, #tpu.dimension_semantics<subcore_parallel>], iteration_bounds = array<i64: 2, 16>, scalar_prefetch = 0 : i64, scratch_operands = 4 : i64, tpu.core_type = #tpu.core_type<sc_vector_subcore>, window_params = [{transform_indices = #map}, {transform_indices = #map1}, {transform_indices = #map1}]} {
    %mul3A = arith.constant 2 : i32
    %mul3A_0 = arith.muli %arg1, %mul3A : i32
    %add3A = arith.addi %mul3A_0, %arg0 : i32
    %mul3A_1 = arith.constant 512 : i32
    %mul3A_2 = arith.muli %add3A, %mul3A_1 : i32
    "tpu.region"() ({
      %run_scoped3A = tpu.sem_alloc : memref<!tpu.dma_semaphore, #tpu.memory_space<semaphore_mem>>
      %dma_start3A_220 = tpu.memref_slice %arg2[%mul3A_2] : memref<16384xi32, #tpu.memory_space<hbm>> -> memref<512xi32, #tpu.memory_space<hbm>>
      %dma_start3A_221 = tpu.memref_slice %arg2[%mul3A_2] : memref<16384xi32, #tpu.memory_space<hbm>> -> memref<512xi32, #tpu.memory_space<hbm>>
      tpu.enqueue_dma source(%dma_start3A_221 : memref<512xi32, #tpu.memory_space<hbm>>) target(%arg5 : memref<512xi32, #tpu.memory_space<vmem>>) target_semaphore(%run_scoped3A : memref<!tpu.dma_semaphore, #tpu.memory_space<semaphore_mem>>)
      %dma_wait3A = tpu.memref_slice %arg2[%mul3A_2] : memref<16384xi32, #tpu.memory_space<hbm>> -> memref<512xi32, #tpu.memory_space<hbm>>
      %dma_wait3A_222 = tpu.memref_slice %arg2[%mul3A_2] : memref<16384xi32, #tpu.memory_space<hbm>> -> memref<512xi32, #tpu.memory_space<hbm>>
      tpu.wait_dma2 semaphore(%run_scoped3A : memref<!tpu.dma_semaphore, #tpu.memory_space<semaphore_mem>>) src(%dma_wait3A_222 : memref<512xi32, #tpu.memory_space<hbm>>) dst(%arg5 : memref<512xi32, #tpu.memory_space<vmem>>)
      tpu.yield
    }) : () -> ()
    %iota3A = tpu.iota {dimensions = array<i32: 0>} : vector<16xi32>
    %get3A = arith.constant 0 : index
    %get3A_3 = tpu.vector_load %arg5[%get3A] {strides = array<i32>} : memref<512xi32, #tpu.memory_space<vmem>>, vector<16xi32>,
    %rem3A = arith.constant 0 : i32
    %rem3A_4 = arith.constant 8 : i32
    %rem3A_5 = arith.remsi %rem3A, %rem3A_4 : i32
    %mul3A_6 = arith.constant 2 : i32
    %mul3A_7 = arith.muli %rem3A_5, %mul3A_6 : i32
    %add3A_8 = arith.constant 0 : i32
    %add3A_9 = arith.addi %mul3A_7, %add3A_8 : i32
    %eq3A = vector.broadcast %add3A_9 : i32 to vector<16xi32>
    %eq3A_10 = arith.cmpi eq, %iota3A, %eq3A : vector<16xi32>
    %jit3A = arith.constant 0 : i32
    %broadcast_in_dim3A = vector.broadcast %jit3A : i32 to vector<16xi32>
    %select_n3A = arith.select %eq3A_10, %get3A_3, %broadcast_in_dim3A : vector<16xi1>, vector<16xi32>
    %reduce_sum3A = arith.constant true
    %reduce_sum3A_11 = vector.broadcast %reduce_sum3A : i1 to vector<16xi1>
    %reduce_sum3A_12 = tpu.scan <sum>, %select_n3A masked %reduce_sum3A_11 : vector<16xi32>, vector<16xi1> -> vector<16xi32>
    %reduce_sum3A_13 = vector.extract %reduce_sum3A_12[15] : i32 from vector<16xi32>
    %shift_right_arithmetic3A = arith.constant 7 : i32
    %shift_right_arithmetic3A_14 = arith.shrsi %reduce_sum3A_13, %shift_right_arithmetic3A : i32
    %mul3A_15 = arith.constant 128 : i32
    %mul3A_16 = arith.muli %shift_right_arithmetic3A_14, %mul3A_15 : i32
    %multiple_of3A = tpu.assume_multiple %mul3A_16, 128 : i32
    %dma_start3A = arith.constant 0 : i32
    %dma_start3A_17 = arith.constant 0 : i32
    %dma_start3A_18 = arith.constant 0 : i32
    %dma_start3A_19 = arith.constant 0 : i32
    %dma_start3A_20 = tpu.memref_slice %arg6[%dma_start3A, %dma_start3A_17, %dma_start3A_18, %dma_start3A_19] : memref<4x2x64x128xf32, #tpu.memory_space<vmem>> -> memref<1x1x64x128xf32, #tpu.memory_space<vmem>>
    %dma_start3A_21 = tpu.memref_squeeze %dma_start3A_20 : memref<1x1x64x128xf32, #tpu.memory_space<vmem>> -> memref<64x128xf32, #tpu.memory_space<vmem>>
    %dma_start3A_22 = arith.constant 0 : i32
    %dma_start3A_23 = tpu.memref_slice %arg3[%dma_start3A_22, %multiple_of3A] : memref<64x1000000xf32, #tpu.memory_space<hbm>> -> memref<64x128xf32, #tpu.memory_space<hbm>>
    %dma_start3A_24 = arith.constant 0 : i32
    %dma_start3A_25 = arith.constant 0 : i32
    %dma_start3A_26 = tpu.memref_slice %arg6[%dma_start3A, %dma_start3A_17, %dma_start3A_24, %dma_start3A_25] : memref<4x2x64x128xf32, #tpu.memory_space<vmem>> -> memref<1x1x64x128xf32, #tpu.memory_space<vmem>>
    %dma_start3A_27 = tpu.memref_squeeze %dma_start3A_26 : memref<1x1x64x128xf32, #tpu.memory_space<vmem>> -> memref<64x128xf32, #tpu.memory_space<vmem>>
    %dma_start3A_28 = arith.constant 0 : i32
    %dma_start3A_29 = tpu.memref_slice %arg3[%dma_start3A_28, %multiple_of3A] : memref<64x1000000xf32, #tpu.memory_space<hbm>> -> memref<64x128xf32, #tpu.memory_space<hbm>>
    tpu.enqueue_dma source(%dma_start3A_29 : memref<64x128xf32, #tpu.memory_space<hbm>>) target(%dma_start3A_27 : memref<64x128xf32, #tpu.memory_space<vmem>>) target_semaphore(%arg8 : memref<!tpu.dma_semaphore, #tpu.memory_space<semaphore_mem>>)
    %get3A_30 = arith.constant 0 : index
    %get3A_31 = tpu.vector_load %arg5[%get3A_30] {strides = array<i32>} : memref<512xi32, #tpu.memory_space<vmem>>, vector<16xi32>,
    %rem3A_32 = arith.constant 0 : i32
    %rem3A_33 = arith.constant 8 : i32
    %rem3A_34 = arith.remsi %rem3A_32, %rem3A_33 : i32
    %mul3A_35 = arith.constant 2 : i32
    %mul3A_36 = arith.muli %rem3A_34, %mul3A_35 : i32
    %add3A_37 = arith.constant 1 : i32
    %add3A_38 = arith.addi %mul3A_36, %add3A_37 : i32
    %eq3A_39 = vector.broadcast %add3A_38 : i32 to vector<16xi32>
    %eq3A_40 = arith.cmpi eq, %iota3A, %eq3A_39 : vector<16xi32>
    %jit3A_41 = arith.constant 0 : i32
    %broadcast_in_dim3A_42 = vector.broadcast %jit3A_41 : i32 to vector<16xi32>
    %select_n3A_43 = arith.select %eq3A_40, %get3A_31, %broadcast_in_dim3A_42 : vector<16xi1>, vector<16xi32>
    %reduce_sum3A_44 = arith.constant true
    %reduce_sum3A_45 = vector.broadcast %reduce_sum3A_44 : i1 to vector<16xi1>
    %reduce_sum3A_46 = tpu.scan <sum>, %select_n3A_43 masked %reduce_sum3A_45 : vector<16xi32>, vector<16xi1> -> vector<16xi32>
    %reduce_sum3A_47 = vector.extract %reduce_sum3A_46[15] : i32 from vector<16xi32>
    %shift_right_arithmetic3A_48 = arith.constant 7 : i32
    %shift_right_arithmetic3A_49 = arith.shrsi %reduce_sum3A_47, %shift_right_arithmetic3A_48 : i32
    %mul3A_50 = arith.constant 128 : i32
    %mul3A_51 = arith.muli %shift_right_arithmetic3A_49, %mul3A_50 : i32
    %multiple_of3A_52 = tpu.assume_multiple %mul3A_51, 128 : i32
    %dma_start3A_53 = arith.constant 0 : i32
    %dma_start3A_54 = arith.constant 1 : i32
    %dma_start3A_55 = arith.constant 0 : i32
    %dma_start3A_56 = arith.constant 0 : i32
    %dma_start3A_57 = tpu.memref_slice %arg6[%dma_start3A_53, %dma_start3A_54, %dma_start3A_55, %dma_start3A_56] : memref<4x2x64x128xf32, #tpu.memory_space<vmem>> -> memref<1x1x64x128xf32, #tpu.memory_space<vmem>>
    %dma_start3A_58 = tpu.memref_squeeze %dma_start3A_57 : memref<1x1x64x128xf32, #tpu.memory_space<vmem>> -> memref<64x128xf32, #tpu.memory_space<vmem>>
    %dma_start3A_59 = arith.constant 0 : i32
    %dma_start3A_60 = tpu.memref_slice %arg3[%dma_start3A_59, %multiple_of3A_52] : memref<64x1000000xf32, #tpu.memory_space<hbm>> -> memref<64x128xf32, #tpu.memory_space<hbm>>
    %dma_start3A_61 = arith.constant 0 : i32
    %dma_start3A_62 = arith.constant 0 : i32
    %dma_start3A_63 = tpu.memref_slice %arg6[%dma_start3A_53, %dma_start3A_54, %dma_start3A_61, %dma_start3A_62] : memref<4x2x64x128xf32, #tpu.memory_space<vmem>> -> memref<1x1x64x128xf32, #tpu.memory_space<vmem>>
    %dma_start3A_64 = tpu.memref_squeeze %dma_start3A_63 : memref<1x1x64x128xf32, #tpu.memory_space<vmem>> -> memref<64x128xf32, #tpu.memory_space<vmem>>
    %dma_start3A_65 = arith.constant 0 : i32
    %dma_start3A_66 = tpu.memref_slice %arg3[%dma_start3A_65, %multiple_of3A_52] : memref<64x1000000xf32, #tpu.memory_space<hbm>> -> memref<64x128xf32, #tpu.memory_space<hbm>>
    tpu.enqueue_dma source(%dma_start3A_66 : memref<64x128xf32, #tpu.memory_space<hbm>>) target(%dma_start3A_64 : memref<64x128xf32, #tpu.memory_space<vmem>>) target_semaphore(%arg8 : memref<!tpu.dma_semaphore, #tpu.memory_space<semaphore_mem>>)
    %get3A_67 = arith.constant 0 : index
    %get3A_68 = tpu.vector_load %arg5[%get3A_67] {strides = array<i32>} : memref<512xi32, #tpu.memory_space<vmem>>, vector<16xi32>,
    %rem3A_69 = arith.constant 1 : i32
    %rem3A_70 = arith.constant 8 : i32
    %rem3A_71 = arith.remsi %rem3A_69, %rem3A_70 : i32
    %mul3A_72 = arith.constant 2 : i32
    %mul3A_73 = arith.muli %rem3A_71, %mul3A_72 : i32
    %add3A_74 = arith.constant 0 : i32
    %add3A_75 = arith.addi %mul3A_73, %add3A_74 : i32
    %eq3A_76 = vector.broadcast %add3A_75 : i32 to vector<16xi32>
    %eq3A_77 = arith.cmpi eq, %iota3A, %eq3A_76 : vector<16xi32>
    %jit3A_78 = arith.constant 0 : i32
    %broadcast_in_dim3A_79 = vector.broadcast %jit3A_78 : i32 to vector<16xi32>
    %select_n3A_80 = arith.select %eq3A_77, %get3A_68, %broadcast_in_dim3A_79 : vector<16xi1>, vector<16xi32>
    %reduce_sum3A_81 = arith.constant true
    %reduce_sum3A_82 = vector.broadcast %reduce_sum3A_81 : i1 to vector<16xi1>
    %reduce_sum3A_83 = tpu.scan <sum>, %select_n3A_80 masked %reduce_sum3A_82 : vector<16xi32>, vector<16xi1> -> vector<16xi32>
    %reduce_sum3A_84 = vector.extract %reduce_sum3A_83[15] : i32 from vector<16xi32>
    %shift_right_arithmetic3A_85 = arith.constant 7 : i32
    %shift_right_arithmetic3A_86 = arith.shrsi %reduce_sum3A_84, %shift_right_arithmetic3A_85 : i32
    %mul3A_87 = arith.constant 128 : i32
    %mul3A_88 = arith.muli %shift_right_arithmetic3A_86, %mul3A_87 : i32
    %multiple_of3A_89 = tpu.assume_multiple %mul3A_88, 128 : i32
    %dma_start3A_90 = arith.constant 1 : i32
    %dma_start3A_91 = arith.constant 0 : i32
    %dma_start3A_92 = arith.constant 0 : i32
    %dma_start3A_93 = arith.constant 0 : i32
    %dma_start3A_94 = tpu.memref_slice %arg6[%dma_start3A_90, %dma_start3A_91, %dma_start3A_92, %dma_start3A_93] : memref<4x2x64x128xf32, #tpu.memory_space<vmem>> -> memref<1x1x64x128xf32, #tpu.memory_space<vmem>>
    %dma_start3A_95 = tpu.memref_squeeze %dma_start3A_94 : memref<1x1x64x128xf32, #tpu.memory_space<vmem>> -> memref<64x128xf32, #tpu.memory_space<vmem>>
    %dma_start3A_96 = arith.constant 0 : i32
    %dma_start3A_97 = tpu.memref_slice %arg3[%dma_start3A_96, %multiple_of3A_89] : memref<64x1000000xf32, #tpu.memory_space<hbm>> -> memref<64x128xf32, #tpu.memory_space<hbm>>
    %dma_start3A_98 = arith.constant 0 : i32
    %dma_start3A_99 = arith.constant 0 : i32
    %dma_start3A_100 = tpu.memref_slice %arg6[%dma_start3A_90, %dma_start3A_91, %dma_start3A_98, %dma_start3A_99] : memref<4x2x64x128xf32, #tpu.memory_space<vmem>> -> memref<1x1x64x128xf32, #tpu.memory_space<vmem>>
    %dma_start3A_101 = tpu.memref_squeeze %dma_start3A_100 : memref<1x1x64x128xf32, #tpu.memory_space<vmem>> -> memref<64x128xf32, #tpu.memory_space<vmem>>
    %dma_start3A_102 = arith.constant 0 : i32
    %dma_start3A_103 = tpu.memref_slice %arg3[%dma_start3A_102, %multiple_of3A_89] : memref<64x1000000xf32, #tpu.memory_space<hbm>> -> memref<64x128xf32, #tpu.memory_space<hbm>>
    tpu.enqueue_dma source(%dma_start3A_103 : memref<64x128xf32, #tpu.memory_space<hbm>>) target(%dma_start3A_101 : memref<64x128xf32, #tpu.memory_space<vmem>>) target_semaphore(%arg8 : memref<!tpu.dma_semaphore, #tpu.memory_space<semaphore_mem>>)
    %get3A_104 = arith.constant 0 : index
    %get3A_105 = tpu.vector_load %arg5[%get3A_104] {strides = array<i32>} : memref<512xi32, #tpu.memory_space<vmem>>, vector<16xi32>,
    %rem3A_106 = arith.constant 1 : i32
    %rem3A_107 = arith.constant 8 : i32
    %rem3A_108 = arith.remsi %rem3A_106, %rem3A_107 : i32
    %mul3A_109 = arith.constant 2 : i32
    %mul3A_110 = arith.muli %rem3A_108, %mul3A_109 : i32
    %add3A_111 = arith.constant 1 : i32
    %add3A_112 = arith.addi %mul3A_110, %add3A_111 : i32
    %eq3A_113 = vector.broadcast %add3A_112 : i32 to vector<16xi32>
    %eq3A_114 = arith.cmpi eq, %iota3A, %eq3A_113 : vector<16xi32>
    %jit3A_115 = arith.constant 0 : i32
    %broadcast_in_dim3A_116 = vector.broadcast %jit3A_115 : i32 to vector<16xi32>
    %select_n3A_117 = arith.select %eq3A_114, %get3A_105, %broadcast_in_dim3A_116 : vector<16xi1>, vector<16xi32>
    %reduce_sum3A_118 = arith.constant true
    %reduce_sum3A_119 = vector.broadcast %reduce_sum3A_118 : i1 to vector<16xi1>
    %reduce_sum3A_120 = tpu.scan <sum>, %select_n3A_117 masked %reduce_sum3A_119 : vector<16xi32>, vector<16xi1> -> vector<16xi32>
    %reduce_sum3A_121 = vector.extract %reduce_sum3A_120[15] : i32 from vector<16xi32>
    %shift_right_arithmetic3A_122 = arith.constant 7 : i32
    %shift_right_arithmetic3A_123 = arith.shrsi %reduce_sum3A_121, %shift_right_arithmetic3A_122 : i32
    %mul3A_124 = arith.constant 128 : i32
    %mul3A_125 = arith.muli %shift_right_arithmetic3A_123, %mul3A_124 : i32
    %multiple_of3A_126 = tpu.assume_multiple %mul3A_125, 128 : i32
    %dma_start3A_127 = arith.constant 1 : i32
    %dma_start3A_128 = arith.constant 1 : i32
    %dma_start3A_129 = arith.constant 0 : i32
    %dma_start3A_130 = arith.constant 0 : i32
    %dma_start3A_131 = tpu.memref_slice %arg6[%dma_start3A_127, %dma_start3A_128, %dma_start3A_129, %dma_start3A_130] : memref<4x2x64x128xf32, #tpu.memory_space<vmem>> -> memref<1x1x64x128xf32, #tpu.memory_space<vmem>>
    %dma_start3A_132 = tpu.memref_squeeze %dma_start3A_131 : memref<1x1x64x128xf32, #tpu.memory_space<vmem>> -> memref<64x128xf32, #tpu.memory_space<vmem>>
    %dma_start3A_133 = arith.constant 0 : i32
    %dma_start3A_134 = tpu.memref_slice %arg3[%dma_start3A_133, %multiple_of3A_126] : memref<64x1000000xf32, #tpu.memory_space<hbm>> -> memref<64x128xf32, #tpu.memory_space<hbm>>
    %dma_start3A_135 = arith.constant 0 : i32
    %dma_start3A_136 = arith.constant 0 : i32
    %dma_start3A_137 = tpu.memref_slice %arg6[%dma_start3A_127, %dma_start3A_128, %dma_start3A_135, %dma_start3A_136] : memref<4x2x64x128xf32, #tpu.memory_space<vmem>> -> memref<1x1x64x128xf32, #tpu.memory_space<vmem>>
    %dma_start3A_138 = tpu.memref_squeeze %dma_start3A_137 : memref<1x1x64x128xf32, #tpu.memory_space<vmem>> -> memref<64x128xf32, #tpu.memory_space<vmem>>
    %dma_start3A_139 = arith.constant 0 : i32
    %dma_start3A_140 = tpu.memref_slice %arg3[%dma_start3A_139, %multiple_of3A_126] : memref<64x1000000xf32, #tpu.memory_space<hbm>> -> memref<64x128xf32, #tpu.memory_space<hbm>>
    tpu.enqueue_dma source(%dma_start3A_140 : memref<64x128xf32, #tpu.memory_space<hbm>>) target(%dma_start3A_138 : memref<64x128xf32, #tpu.memory_space<vmem>>) target_semaphore(%arg8 : memref<!tpu.dma_semaphore, #tpu.memory_space<semaphore_mem>>)
    %get3A_141 = arith.constant 0 : index
    %get3A_142 = tpu.vector_load %arg5[%get3A_141] {strides = array<i32>} : memref<512xi32, #tpu.memory_space<vmem>>, vector<16xi32>,
    %rem3A_143 = arith.constant 2 : i32
    %rem3A_144 = arith.constant 8 : i32
    %rem3A_145 = arith.remsi %rem3A_143, %rem3A_144 : i32
    %mul3A_146 = arith.constant 2 : i32
    %mul3A_147 = arith.muli %rem3A_145, %mul3A_146 : i32
    %add3A_148 = arith.constant 0 : i32
    %add3A_149 = arith.addi %mul3A_147, %add3A_148 : i32
    %eq3A_150 = vector.broadcast %add3A_149 : i32 to vector<16xi32>
    %eq3A_151 = arith.cmpi eq, %iota3A, %eq3A_150 : vector<16xi32>
    %jit3A_152 = arith.constant 0 : i32
    %broadcast_in_dim3A_153 = vector.broadcast %jit3A_152 : i32 to vector<16xi32>
    %select_n3A_154 = arith.select %eq3A_151, %get3A_142, %broadcast_in_dim3A_153 : vector<16xi1>, vector<16xi32>
    %reduce_sum3A_155 = arith.constant true
    %reduce_sum3A_156 = vector.broadcast %reduce_sum3A_155 : i1 to vector<16xi1>
    %reduce_sum3A_157 = tpu.scan <sum>, %select_n3A_154 masked %reduce_sum3A_156 : vector<16xi32>, vector<16xi1> -> vector<16xi32>
    %reduce_sum3A_158 = vector.extract %reduce_sum3A_157[15] : i32 from vector<16xi32>
    %shift_right_arithmetic3A_159 = arith.constant 7 : i32
    %shift_right_arithmetic3A_160 = arith.shrsi %reduce_sum3A_158, %shift_right_arithmetic3A_159 : i32
    %mul3A_161 = arith.constant 128 : i32
    %mul3A_162 = arith.muli %shift_right_arithmetic3A_160, %mul3A_161 : i32
    %multiple_of3A_163 = tpu.assume_multiple %mul3A_162, 128 : i32
    %dma_start3A_164 = arith.constant 2 : i32
    %dma_start3A_165 = arith.constant 0 : i32
    %dma_start3A_166 = arith.constant 0 : i32
    %dma_start3A_167 = arith.constant 0 : i32
    %dma_start3A_168 = tpu.memref_slice %arg6[%dma_start3A_164, %dma_start3A_165, %dma_start3A_166, %dma_start3A_167] : memref<4x2x64x128xf32, #tpu.memory_space<vmem>> -> memref<1x1x64x128xf32, #tpu.memory_space<vmem>>
    %dma_start3A_169 = tpu.memref_squeeze %dma_start3A_168 : memref<1x1x64x128xf32, #tpu.memory_space<vmem>> -> memref<64x128xf32, #tpu.memory_space<vmem>>
    %dma_start3A_170 = arith.constant 0 : i32
    %dma_start3A_171 = tpu.memref_slice %arg3[%dma_start3A_170, %multiple_of3A_163] : memref<64x1000000xf32, #tpu.memory_space<hbm>> -> memref<64x128xf32, #tpu.memory_space<hbm>>
    %dma_start3A_172 = arith.constant 0 : i32
    %dma_start3A_173 = arith.constant 0 : i32
    %dma_start3A_174 = tpu.memref_slice %arg6[%dma_start3A_164, %dma_start3A_165, %dma_start3A_172, %dma_start3A_173] : memref<4x2x64x128xf32, #tpu.memory_space<vmem>> -> memref<1x1x64x128xf32, #tpu.memory_space<vmem>>
    %dma_start3A_175 = tpu.memref_squeeze %dma_start3A_174 : memref<1x1x64x128xf32, #tpu.memory_space<vmem>> -> memref<64x128xf32, #tpu.memory_space<vmem>>
    %dma_start3A_176 = arith.constant 0 : i32
    %dma_start3A_177 = tpu.memref_slice %arg3[%dma_start3A_176, %multiple_of3A_163] : memref<64x1000000xf32, #tpu.memory_space<hbm>> -> memref<64x128xf32, #tpu.memory_space<hbm>>
    tpu.enqueue_dma source(%dma_start3A_177 : memref<64x128xf32, #tpu.memory_space<hbm>>) target(%dma_start3A_175 : memref<64x128xf32, #tpu.memory_space<vmem>>) target_semaphore(%arg8 : memref<!tpu.dma_semaphore, #tpu.memory_space<semaphore_mem>>)
    %get3A_178 = arith.constant 0 : index
    %get3A_179 = tpu.vector_load %arg5[%get3A_178] {strides = array<i32>} : memref<512xi32, #tpu.memory_space<vmem>>, vector<16xi32>,
    %rem3A_180 = arith.constant 2 : i32
    %rem3A_181 = arith.constant 8 : i32
    %rem3A_182 = arith.remsi %rem3A_180, %rem3A_181 : i32
    %mul3A_183 = arith.constant 2 : i32
    %mul3A_184 = arith.muli %rem3A_182, %mul3A_183 : i32
    %add3A_185 = arith.constant 1 : i32
    %add3A_186 = arith.addi %mul3A_184, %add3A_185 : i32
    %eq3A_187 = vector.broadcast %add3A_186 : i32 to vector<16xi32>
    %eq3A_188 = arith.cmpi eq, %iota3A, %eq3A_187 : vector<16xi32>
    %jit3A_189 = arith.constant 0 : i32
    %broadcast_in_dim3A_190 = vector.broadcast %jit3A_189 : i32 to vector<16xi32>
    %select_n3A_191 = arith.select %eq3A_188, %get3A_179, %broadcast_in_dim3A_190 : vector<16xi1>, vector<16xi32>
    %reduce_sum3A_192 = arith.constant true
    %reduce_sum3A_193 = vector.broadcast %reduce_sum3A_192 : i1 to vector<16xi1>
    %reduce_sum3A_194 = tpu.scan <sum>, %select_n3A_191 masked %reduce_sum3A_193 : vector<16xi32>, vector<16xi1> -> vector<16xi32>
    %reduce_sum3A_195 = vector.extract %reduce_sum3A_194[15] : i32 from vector<16xi32>
    %shift_right_arithmetic3A_196 = arith.constant 7 : i32
    %shift_right_arithmetic3A_197 = arith.shrsi %reduce_sum3A_195, %shift_right_arithmetic3A_196 : i32
    %mul3A_198 = arith.constant 128 : i32
    %mul3A_199 = arith.muli %shift_right_arithmetic3A_197, %mul3A_198 : i32
    %multiple_of3A_200 = tpu.assume_multiple %mul3A_199, 128 : i32
    %dma_start3A_201 = arith.constant 2 : i32
    %dma_start3A_202 = arith.constant 1 : i32
    %dma_start3A_203 = arith.constant 0 : i32
    %dma_start3A_204 = arith.constant 0 : i32
    %dma_start3A_205 = tpu.memref_slice %arg6[%dma_start3A_201, %dma_start3A_202, %dma_start3A_203, %dma_start3A_204] : memref<4x2x64x128xf32, #tpu.memory_space<vmem>> -> memref<1x1x64x128xf32, #tpu.memory_space<vmem>>
    %dma_start3A_206 = tpu.memref_squeeze %dma_start3A_205 : memref<1x1x64x128xf32, #tpu.memory_space<vmem>> -> memref<64x128xf32, #tpu.memory_space<vmem>>
    %dma_start3A_207 = arith.constant 0 : i32
    %dma_start3A_208 = tpu.memref_slice %arg3[%dma_start3A_207, %multiple_of3A_200] : memref<64x1000000xf32, #tpu.memory_space<hbm>> -> memref<64x128xf32, #tpu.memory_space<hbm>>
    %dma_start3A_209 = arith.constant 0 : i32
    %dma_start3A_210 = arith.constant 0 : i32
    %dma_start3A_211 = tpu.memref_slice %arg6[%dma_start3A_201, %dma_start3A_202, %dma_start3A_209, %dma_start3A_210] : memref<4x2x64x128xf32, #tpu.memory_space<vmem>> -> memref<1x1x64x128xf32, #tpu.memory_space<vmem>>
    %dma_start3A_212 = tpu.memref_squeeze %dma_start3A_211 : memref<1x1x64x128xf32, #tpu.memory_space<vmem>> -> memref<64x128xf32, #tpu.memory_space<vmem>>
    %dma_start3A_213 = arith.constant 0 : i32
    %dma_start3A_214 = tpu.memref_slice %arg3[%dma_start3A_213, %multiple_of3A_200] : memref<64x1000000xf32, #tpu.memory_space<hbm>> -> memref<64x128xf32, #tpu.memory_space<hbm>>
    tpu.enqueue_dma source(%dma_start3A_214 : memref<64x128xf32, #tpu.memory_space<hbm>>) target(%dma_start3A_212 : memref<64x128xf32, #tpu.memory_space<vmem>>) target_semaphore(%arg8 : memref<!tpu.dma_semaphore, #tpu.memory_space<semaphore_mem>>)
    %scan3A = arith.constant 0 : i32
    %scan3A_215 = arith.constant 0 : i32
    %scan3A_216 = arith.constant 256 : i32
    %scan3A_217 = arith.addi %scan3A_215, %scan3A_216 : i32
    %scan3A_218 = arith.constant 1 : i32
    scf.for %scan3A_220 = %scan3A_215 to %scan3A_217 step %scan3A_218  : i32 {
      %rem3A_221 = arith.constant 4 : i32
      %rem3A_222 = arith.remsi %scan3A_220, %rem3A_221 : i32
      %add3A_223 = arith.constant 4 : i32
      %add3A_224 = arith.addi %scan3A_220, %add3A_223 : i32
      %sub3A = arith.constant 1 : i32
      %sub3A_225 = arith.subi %add3A_224, %sub3A : i32
      %lt3A = arith.constant 256 : i32
      %lt3A_226 = arith.cmpi slt, %sub3A_225, %lt3A : i32
      %convert_element_type3A = arith.extui %lt3A_226 : i1 to i32
      %cond3A = arith.constant 0 : i32
      %cond3A_227 = arith.cmpi ne, %convert_element_type3A, %cond3A : i32
      scf.if %cond3A_227 {
        %add3A_426 = arith.constant 4 : i32
        %add3A_427 = arith.addi %scan3A_220, %add3A_426 : i32
        %sub3A_428 = arith.constant 1 : i32
        %sub3A_429 = arith.subi %add3A_427, %sub3A_428 : i32
        %add3A_430 = arith.constant 4 : i32
        %add3A_431 = arith.addi %scan3A_220, %add3A_430 : i32
        %sub3A_432 = arith.constant 1 : i32
        %sub3A_433 = arith.subi %add3A_431, %sub3A_432 : i32
        %rem3A_434 = arith.constant 4 : i32
        %rem3A_435 = arith.remsi %sub3A_433, %rem3A_434 : i32
        %jit3A_436 = arith.constant 8 : i32
        %div3A_437 = arith.divsi %sub3A_429, %jit3A_436 : i32
        %sign3A_438 = arith.constant 0 : i32
        %sign3A_439 = arith.cmpi sgt, %sub3A_429, %sign3A_438 : i32
        %sign3A_440 = arith.extui %sign3A_439 : i1 to i32
        %sign3A_441 = arith.constant 0 : i32
        %sign3A_442 = arith.cmpi slt, %sub3A_429, %sign3A_441 : i32
        %sign3A_443 = arith.extui %sign3A_442 : i1 to i32
        %sign3A_444 = arith.subi %sign3A_440, %sign3A_443 : i32
        %sign3A_445 = arith.constant 0 : i32
        %sign3A_446 = arith.cmpi sgt, %jit3A_436, %sign3A_445 : i32
        %sign3A_447 = arith.extui %sign3A_446 : i1 to i32
        %sign3A_448 = arith.constant 0 : i32
        %sign3A_449 = arith.cmpi slt, %jit3A_436, %sign3A_448 : i32
        %sign3A_450 = arith.extui %sign3A_449 : i1 to i32
        %sign3A_451 = arith.subi %sign3A_447, %sign3A_450 : i32
        %ne3A_452 = arith.cmpi ne, %sign3A_444, %sign3A_451 : i32
        %rem3A_453 = arith.remsi %sub3A_429, %jit3A_436 : i32
        %ne3A_454 = arith.constant 0 : i32
        %ne3A_455 = arith.cmpi ne, %rem3A_453, %ne3A_454 : i32
        %and3A_456 = arith.andi %ne3A_452, %ne3A_455 : i1
        %sub3A_457 = arith.constant 1 : i32
        %sub3A_458 = arith.subi %div3A_437, %sub3A_457 : i32
        %select_n3A_459 = arith.select %and3A_456, %sub3A_458, %div3A_437 : i32
        %mul3A_460 = arith.constant 16 : i32
        %mul3A_461 = arith.muli %select_n3A_459, %mul3A_460 : i32
        %get3A_462 = arith.index_cast %mul3A_461 : i32 to index
        %get3A_463 = tpu.vector_load %arg5[%get3A_462] {strides = array<i32>} : memref<512xi32, #tpu.memory_space<vmem>>, vector<16xi32>,
        %rem3A_464 = arith.constant 8 : i32
        %rem3A_465 = arith.remsi %sub3A_429, %rem3A_464 : i32
        %mul3A_466 = arith.constant 2 : i32
        %mul3A_467 = arith.muli %rem3A_465, %mul3A_466 : i32
        %add3A_468 = arith.constant 0 : i32
        %add3A_469 = arith.addi %mul3A_467, %add3A_468 : i32
        %eq3A_470 = vector.broadcast %add3A_469 : i32 to vector<16xi32>
        %eq3A_471 = arith.cmpi eq, %iota3A, %eq3A_470 : vector<16xi32>
        %jit3A_472 = arith.constant 0 : i32
        %broadcast_in_dim3A_473 = vector.broadcast %jit3A_472 : i32 to vector<16xi32>
        %select_n3A_474 = arith.select %eq3A_471, %get3A_463, %broadcast_in_dim3A_473 : vector<16xi1>, vector<16xi32>
        %reduce_sum3A_475 = arith.constant true
        %reduce_sum3A_476 = vector.broadcast %reduce_sum3A_475 : i1 to vector<16xi1>
        %reduce_sum3A_477 = tpu.scan <sum>, %select_n3A_474 masked %reduce_sum3A_476 : vector<16xi32>, vector<16xi1> -> vector<16xi32>
        %reduce_sum3A_478 = vector.extract %reduce_sum3A_477[15] : i32 from vector<16xi32>
        %shift_right_arithmetic3A_479 = arith.constant 7 : i32
        %shift_right_arithmetic3A_480 = arith.shrsi %reduce_sum3A_478, %shift_right_arithmetic3A_479 : i32
        %mul3A_481 = arith.constant 128 : i32
        %mul3A_482 = arith.muli %shift_right_arithmetic3A_480, %mul3A_481 : i32
        %multiple_of3A_483 = tpu.assume_multiple %mul3A_482, 128 : i32
        %dma_start3A_484 = arith.constant 0 : i32
        %dma_start3A_485 = arith.constant 0 : i32
        %dma_start3A_486 = arith.constant 0 : i32
        %dma_start3A_487 = tpu.memref_slice %arg6[%rem3A_435, %dma_start3A_484, %dma_start3A_485, %dma_start3A_486] : memref<4x2x64x128xf32, #tpu.memory_space<vmem>> -> memref<1x1x64x128xf32, #tpu.memory_space<vmem>>
        %dma_start3A_488 = tpu.memref_squeeze %dma_start3A_487 : memref<1x1x64x128xf32, #tpu.memory_space<vmem>> -> memref<64x128xf32, #tpu.memory_space<vmem>>
        %dma_start3A_489 = arith.constant 0 : i32
        %dma_start3A_490 = tpu.memref_slice %arg3[%dma_start3A_489, %multiple_of3A_483] : memref<64x1000000xf32, #tpu.memory_space<hbm>> -> memref<64x128xf32, #tpu.memory_space<hbm>>
        %dma_start3A_491 = arith.constant 0 : i32
        %dma_start3A_492 = arith.constant 0 : i32
        %dma_start3A_493 = tpu.memref_slice %arg6[%rem3A_435, %dma_start3A_484, %dma_start3A_491, %dma_start3A_492] : memref<4x2x64x128xf32, #tpu.memory_space<vmem>> -> memref<1x1x64x128xf32, #tpu.memory_space<vmem>>
        %dma_start3A_494 = tpu.memref_squeeze %dma_start3A_493 : memref<1x1x64x128xf32, #tpu.memory_space<vmem>> -> memref<64x128xf32, #tpu.memory_space<vmem>>
        %dma_start3A_495 = arith.constant 0 : i32
        %dma_start3A_496 = tpu.memref_slice %arg3[%dma_start3A_495, %multiple_of3A_483] : memref<64x1000000xf32, #tpu.memory_space<hbm>> -> memref<64x128xf32, #tpu.memory_space<hbm>>
        tpu.enqueue_dma source(%dma_start3A_496 : memref<64x128xf32, #tpu.memory_space<hbm>>) target(%dma_start3A_494 : memref<64x128xf32, #tpu.memory_space<vmem>>) target_semaphore(%arg8 : memref<!tpu.dma_semaphore, #tpu.memory_space<semaphore_mem>>)
        %jit3A_497 = arith.constant 8 : i32
        %div3A_498 = arith.divsi %sub3A_429, %jit3A_497 : i32
        %sign3A_499 = arith.constant 0 : i32
        %sign3A_500 = arith.cmpi sgt, %sub3A_429, %sign3A_499 : i32
        %sign3A_501 = arith.extui %sign3A_500 : i1 to i32
        %sign3A_502 = arith.constant 0 : i32
        %sign3A_503 = arith.cmpi slt, %sub3A_429, %sign3A_502 : i32
        %sign3A_504 = arith.extui %sign3A_503 : i1 to i32
        %sign3A_505 = arith.subi %sign3A_501, %sign3A_504 : i32
        %sign3A_506 = arith.constant 0 : i32
        %sign3A_507 = arith.cmpi sgt, %jit3A_497, %sign3A_506 : i32
        %sign3A_508 = arith.extui %sign3A_507 : i1 to i32
        %sign3A_509 = arith.constant 0 : i32
        %sign3A_510 = arith.cmpi slt, %jit3A_497, %sign3A_509 : i32
        %sign3A_511 = arith.extui %sign3A_510 : i1 to i32
        %sign3A_512 = arith.subi %sign3A_508, %sign3A_511 : i32
        %ne3A_513 = arith.cmpi ne, %sign3A_505, %sign3A_512 : i32
        %rem3A_514 = arith.remsi %sub3A_429, %jit3A_497 : i32
        %ne3A_515 = arith.constant 0 : i32
        %ne3A_516 = arith.cmpi ne, %rem3A_514, %ne3A_515 : i32
        %and3A_517 = arith.andi %ne3A_513, %ne3A_516 : i1
        %sub3A_518 = arith.constant 1 : i32
        %sub3A_519 = arith.subi %div3A_498, %sub3A_518 : i32
        %select_n3A_520 = arith.select %and3A_517, %sub3A_519, %div3A_498 : i32
        %mul3A_521 = arith.constant 16 : i32
        %mul3A_522 = arith.muli %select_n3A_520, %mul3A_521 : i32
        %get3A_523 = arith.index_cast %mul3A_522 : i32 to index
        %get3A_524 = tpu.vector_load %arg5[%get3A_523] {strides = array<i32>} : memref<512xi32, #tpu.memory_space<vmem>>, vector<16xi32>,
        %rem3A_525 = arith.constant 8 : i32
        %rem3A_526 = arith.remsi %sub3A_429, %rem3A_525 : i32
        %mul3A_527 = arith.constant 2 : i32
        %mul3A_528 = arith.muli %rem3A_526, %mul3A_527 : i32
        %add3A_529 = arith.constant 1 : i32
        %add3A_530 = arith.addi %mul3A_528, %add3A_529 : i32
        %eq3A_531 = vector.broadcast %add3A_530 : i32 to vector<16xi32>
        %eq3A_532 = arith.cmpi eq, %iota3A, %eq3A_531 : vector<16xi32>
        %jit3A_533 = arith.constant 0 : i32
        %broadcast_in_dim3A_534 = vector.broadcast %jit3A_533 : i32 to vector<16xi32>
        %select_n3A_535 = arith.select %eq3A_532, %get3A_524, %broadcast_in_dim3A_534 : vector<16xi1>, vector<16xi32>
        %reduce_sum3A_536 = arith.constant true
        %reduce_sum3A_537 = vector.broadcast %reduce_sum3A_536 : i1 to vector<16xi1>
        %reduce_sum3A_538 = tpu.scan <sum>, %select_n3A_535 masked %reduce_sum3A_537 : vector<16xi32>, vector<16xi1> -> vector<16xi32>
        %reduce_sum3A_539 = vector.extract %reduce_sum3A_538[15] : i32 from vector<16xi32>
        %shift_right_arithmetic3A_540 = arith.constant 7 : i32
        %shift_right_arithmetic3A_541 = arith.shrsi %reduce_sum3A_539, %shift_right_arithmetic3A_540 : i32
        %mul3A_542 = arith.constant 128 : i32
        %mul3A_543 = arith.muli %shift_right_arithmetic3A_541, %mul3A_542 : i32
        %multiple_of3A_544 = tpu.assume_multiple %mul3A_543, 128 : i32
        %dma_start3A_545 = arith.constant 1 : i32
        %dma_start3A_546 = arith.constant 0 : i32
        %dma_start3A_547 = arith.constant 0 : i32
        %dma_start3A_548 = tpu.memref_slice %arg6[%rem3A_435, %dma_start3A_545, %dma_start3A_546, %dma_start3A_547] : memref<4x2x64x128xf32, #tpu.memory_space<vmem>> -> memref<1x1x64x128xf32, #tpu.memory_space<vmem>>
        %dma_start3A_549 = tpu.memref_squeeze %dma_start3A_548 : memref<1x1x64x128xf32, #tpu.memory_space<vmem>> -> memref<64x128xf32, #tpu.memory_space<vmem>>
        %dma_start3A_550 = arith.constant 0 : i32
        %dma_start3A_551 = tpu.memref_slice %arg3[%dma_start3A_550, %multiple_of3A_544] : memref<64x1000000xf32, #tpu.memory_space<hbm>> -> memref<64x128xf32, #tpu.memory_space<hbm>>
        %dma_start3A_552 = arith.constant 0 : i32
        %dma_start3A_553 = arith.constant 0 : i32
        %dma_start3A_554 = tpu.memref_slice %arg6[%rem3A_435, %dma_start3A_545, %dma_start3A_552, %dma_start3A_553] : memref<4x2x64x128xf32, #tpu.memory_space<vmem>> -> memref<1x1x64x128xf32, #tpu.memory_space<vmem>>
        %dma_start3A_555 = tpu.memref_squeeze %dma_start3A_554 : memref<1x1x64x128xf32, #tpu.memory_space<vmem>> -> memref<64x128xf32, #tpu.memory_space<vmem>>
        %dma_start3A_556 = arith.constant 0 : i32
        %dma_start3A_557 = tpu.memref_slice %arg3[%dma_start3A_556, %multiple_of3A_544] : memref<64x1000000xf32, #tpu.memory_space<hbm>> -> memref<64x128xf32, #tpu.memory_space<hbm>>
        tpu.enqueue_dma source(%dma_start3A_557 : memref<64x128xf32, #tpu.memory_space<hbm>>) target(%dma_start3A_555 : memref<64x128xf32, #tpu.memory_space<vmem>>) target_semaphore(%arg8 : memref<!tpu.dma_semaphore, #tpu.memory_space<semaphore_mem>>)
      } else {
      }
      %dma_wait3A = arith.constant 0 : i32
      %dma_wait3A_228 = arith.constant 0 : i32
      %dma_wait3A_229 = arith.constant 0 : i32
      %dma_wait3A_230 = tpu.memref_slice %arg6[%rem3A_222, %dma_wait3A, %dma_wait3A_228, %dma_wait3A_229] : memref<4x2x64x128xf32, #tpu.memory_space<vmem>> -> memref<1x1x64x128xf32, #tpu.memory_space<vmem>>
      %dma_wait3A_231 = tpu.memref_squeeze %dma_wait3A_230 : memref<1x1x64x128xf32, #tpu.memory_space<vmem>> -> memref<64x128xf32, #tpu.memory_space<vmem>>
      %dma_wait3A_232 = arith.constant 0 : i32
      %dma_wait3A_233 = arith.constant 0 : i32
      %dma_wait3A_234 = tpu.memref_slice %arg3[%dma_wait3A_232, %dma_wait3A_233] : memref<64x1000000xf32, #tpu.memory_space<hbm>> -> memref<64x128xf32, #tpu.memory_space<hbm>>
      %dma_wait3A_235 = arith.constant 0 : i32
      %dma_wait3A_236 = arith.constant 0 : i32
      %dma_wait3A_237 = tpu.memref_slice %arg6[%rem3A_222, %dma_wait3A, %dma_wait3A_235, %dma_wait3A_236] : memref<4x2x64x128xf32, #tpu.memory_space<vmem>> -> memref<1x1x64x128xf32, #tpu.memory_space<vmem>>
      %dma_wait3A_238 = tpu.memref_squeeze %dma_wait3A_237 : memref<1x1x64x128xf32, #tpu.memory_space<vmem>> -> memref<64x128xf32, #tpu.memory_space<vmem>>
      %dma_wait3A_239 = arith.constant 0 : i32
      %dma_wait3A_240 = arith.constant 0 : i32
      %dma_wait3A_241 = tpu.memref_slice %arg3[%dma_wait3A_239, %dma_wait3A_240] : memref<64x1000000xf32, #tpu.memory_space<hbm>> -> memref<64x128xf32, #tpu.memory_space<hbm>>
      tpu.wait_dma2 semaphore(%arg8 : memref<!tpu.dma_semaphore, #tpu.memory_space<semaphore_mem>>) src(%dma_wait3A_241 : memref<64x128xf32, #tpu.memory_space<hbm>>) dst(%dma_wait3A_238 : memref<64x128xf32, #tpu.memory_space<vmem>>)
      %dma_wait3A_242 = arith.constant 1 : i32
      %dma_wait3A_243 = arith.constant 0 : i32
      %dma_wait3A_244 = arith.constant 0 : i32
      %dma_wait3A_245 = tpu.memref_slice %arg6[%rem3A_222, %dma_wait3A_242, %dma_wait3A_243, %dma_wait3A_244] : memref<4x2x64x128xf32, #tpu.memory_space<vmem>> -> memref<1x1x64x128xf32, #tpu.memory_space<vmem>>
      %dma_wait3A_246 = tpu.memref_squeeze %dma_wait3A_245 : memref<1x1x64x128xf32, #tpu.memory_space<vmem>> -> memref<64x128xf32, #tpu.memory_space<vmem>>
      %dma_wait3A_247 = arith.constant 0 : i32
      %dma_wait3A_248 = arith.constant 0 : i32
      %dma_wait3A_249 = tpu.memref_slice %arg3[%dma_wait3A_247, %dma_wait3A_248] : memref<64x1000000xf32, #tpu.memory_space<hbm>> -> memref<64x128xf32, #tpu.memory_space<hbm>>
      %dma_wait3A_250 = arith.constant 0 : i32
      %dma_wait3A_251 = arith.constant 0 : i32
      %dma_wait3A_252 = tpu.memref_slice %arg6[%rem3A_222, %dma_wait3A_242, %dma_wait3A_250, %dma_wait3A_251] : memref<4x2x64x128xf32, #tpu.memory_space<vmem>> -> memref<1x1x64x128xf32, #tpu.memory_space<vmem>>
      %dma_wait3A_253 = tpu.memref_squeeze %dma_wait3A_252 : memref<1x1x64x128xf32, #tpu.memory_space<vmem>> -> memref<64x128xf32, #tpu.memory_space<vmem>>
      %dma_wait3A_254 = arith.constant 0 : i32
      %dma_wait3A_255 = arith.constant 0 : i32
      %dma_wait3A_256 = tpu.memref_slice %arg3[%dma_wait3A_254, %dma_wait3A_255] : memref<64x1000000xf32, #tpu.memory_space<hbm>> -> memref<64x128xf32, #tpu.memory_space<hbm>>
      tpu.wait_dma2 semaphore(%arg8 : memref<!tpu.dma_semaphore, #tpu.memory_space<semaphore_mem>>) src(%dma_wait3A_256 : memref<64x128xf32, #tpu.memory_space<hbm>>) dst(%dma_wait3A_253 : memref<64x128xf32, #tpu.memory_space<vmem>>)
      %jit3A_257 = arith.constant 8 : i32
      %div3A = arith.divsi %scan3A_220, %jit3A_257 : i32
      %sign3A = arith.constant 0 : i32
      %sign3A_258 = arith.cmpi sgt, %scan3A_220, %sign3A : i32
      %sign3A_259 = arith.extui %sign3A_258 : i1 to i32
      %sign3A_260 = arith.constant 0 : i32
      %sign3A_261 = arith.cmpi slt, %scan3A_220, %sign3A_260 : i32
      %sign3A_262 = arith.extui %sign3A_261 : i1 to i32
      %sign3A_263 = arith.subi %sign3A_259, %sign3A_262 : i32
      %sign3A_264 = arith.constant 0 : i32
      %sign3A_265 = arith.cmpi sgt, %jit3A_257, %sign3A_264 : i32
      %sign3A_266 = arith.extui %sign3A_265 : i1 to i32
      %sign3A_267 = arith.constant 0 : i32
      %sign3A_268 = arith.cmpi slt, %jit3A_257, %sign3A_267 : i32
      %sign3A_269 = arith.extui %sign3A_268 : i1 to i32
      %sign3A_270 = arith.subi %sign3A_266, %sign3A_269 : i32
      %ne3A = arith.cmpi ne, %sign3A_263, %sign3A_270 : i32
      %rem3A_271 = arith.remsi %scan3A_220, %jit3A_257 : i32
      %ne3A_272 = arith.constant 0 : i32
      %ne3A_273 = arith.cmpi ne, %rem3A_271, %ne3A_272 : i32
      %and3A = arith.andi %ne3A, %ne3A_273 : i1
      %sub3A_274 = arith.constant 1 : i32
      %sub3A_275 = arith.subi %div3A, %sub3A_274 : i32
      %select_n3A_276 = arith.select %and3A, %sub3A_275, %div3A : i32
      %mul3A_277 = arith.constant 16 : i32
      %mul3A_278 = arith.muli %select_n3A_276, %mul3A_277 : i32
      %get3A_279 = arith.index_cast %mul3A_278 : i32 to index
      %get3A_280 = tpu.vector_load %arg5[%get3A_279] {strides = array<i32>} : memref<512xi32, #tpu.memory_space<vmem>>, vector<16xi32>,
      %rem3A_281 = arith.constant 8 : i32
      %rem3A_282 = arith.remsi %scan3A_220, %rem3A_281 : i32
      %mul3A_283 = arith.constant 2 : i32
      %mul3A_284 = arith.muli %rem3A_282, %mul3A_283 : i32
      %add3A_285 = arith.constant 0 : i32
      %add3A_286 = arith.addi %mul3A_284, %add3A_285 : i32
      %eq3A_287 = vector.broadcast %add3A_286 : i32 to vector<16xi32>
      %eq3A_288 = arith.cmpi eq, %iota3A, %eq3A_287 : vector<16xi32>
      %jit3A_289 = arith.constant 0 : i32
      %broadcast_in_dim3A_290 = vector.broadcast %jit3A_289 : i32 to vector<16xi32>
      %select_n3A_291 = arith.select %eq3A_288, %get3A_280, %broadcast_in_dim3A_290 : vector<16xi1>, vector<16xi32>
      %reduce_sum3A_292 = arith.constant true
      %reduce_sum3A_293 = vector.broadcast %reduce_sum3A_292 : i1 to vector<16xi1>
      %reduce_sum3A_294 = tpu.scan <sum>, %select_n3A_291 masked %reduce_sum3A_293 : vector<16xi32>, vector<16xi1> -> vector<16xi32>
      %reduce_sum3A_295 = vector.extract %reduce_sum3A_294[15] : i32 from vector<16xi32>
      %mul3A_296 = arith.constant 2 : i32
      %mul3A_297 = arith.muli %scan3A_220, %mul3A_296 : i32
      %add3A_298 = arith.constant 0 : i32
      %add3A_299 = arith.addi %mul3A_297, %add3A_298 : i32
      %and3A_300 = arith.constant 127 : i32
      %and3A_301 = arith.andi %reduce_sum3A_295, %and3A_300 : i32
      %broadcast_in_dim3A_302 = vector.broadcast %and3A_301 : i32 to vector<16xi32>
      %broadcast_in_dim3A_303 = vector.broadcast %add3A_299 : i32 to vector<16xi32>
      %add3A_304 = arith.constant 0 : i32
      %add3A_305 = vector.broadcast %add3A_304 : i32 to vector<16xi32>
      %add3A_306 = arith.addi %iota3A, %add3A_305 : vector<16xi32>
      %gather3A = arith.constant 0 : i32
      %gather3A_307 = arith.constant 0 : i32
      %gather3A_308 = arith.constant 0 : i32
      %gather3A_309 = tpu.memref_slice %arg6[%rem3A_222, %gather3A, %gather3A_307, %gather3A_308] : memref<4x2x64x128xf32, #tpu.memory_space<vmem>> -> memref<1x1x64x128xf32, #tpu.memory_space<vmem>>
      %gather3A_310 = tpu.memref_squeeze %gather3A_309 : memref<1x1x64x128xf32, #tpu.memory_space<vmem>> -> memref<64x128xf32, #tpu.memory_space<vmem>>
      %gather3A_311 = tpu.vector_load_idx %gather3A_310[%add3A_306, %broadcast_in_dim3A_302] : memref<64x128xf32, #tpu.memory_space<vmem>>[vector<16xi32>, vector<16xi32>], vector<16xf32>,
      tpu.vector_store_idx %arg7[%add3A_306, %broadcast_in_dim3A_303], %gather3A_311 : memref<64x512xf32, #tpu.memory_space<vmem>>[vector<16xi32>, vector<16xi32>], vector<16xf32>,
      %add3A_312 = arith.constant 16 : i32
      %add3A_313 = vector.broadcast %add3A_312 : i32 to vector<16xi32>
      %add3A_314 = arith.addi %iota3A, %add3A_313 : vector<16xi32>
      %gather3A_315 = arith.constant 0 : i32
      %gather3A_316 = arith.constant 0 : i32
      %gather3A_317 = arith.constant 0 : i32
      %gather3A_318 = tpu.memref_slice %arg6[%rem3A_222, %gather3A_315, %gather3A_316, %gather3A_317] : memref<4x2x64x128xf32, #tpu.memory_space<vmem>> -> memref<1x1x64x128xf32, #tpu.memory_space<vmem>>
      %gather3A_319 = tpu.memref_squeeze %gather3A_318 : memref<1x1x64x128xf32, #tpu.memory_space<vmem>> -> memref<64x128xf32, #tpu.memory_space<vmem>>
      %gather3A_320 = tpu.vector_load_idx %gather3A_319[%add3A_314, %broadcast_in_dim3A_302] : memref<64x128xf32, #tpu.memory_space<vmem>>[vector<16xi32>, vector<16xi32>], vector<16xf32>,
      tpu.vector_store_idx %arg7[%add3A_314, %broadcast_in_dim3A_303], %gather3A_320 : memref<64x512xf32, #tpu.memory_space<vmem>>[vector<16xi32>, vector<16xi32>], vector<16xf32>,
      %add3A_321 = arith.constant 32 : i32
      %add3A_322 = vector.broadcast %add3A_321 : i32 to vector<16xi32>
      %add3A_323 = arith.addi %iota3A, %add3A_322 : vector<16xi32>
      %gather3A_324 = arith.constant 0 : i32
      %gather3A_325 = arith.constant 0 : i32
      %gather3A_326 = arith.constant 0 : i32
      %gather3A_327 = tpu.memref_slice %arg6[%rem3A_222, %gather3A_324, %gather3A_325, %gather3A_326] : memref<4x2x64x128xf32, #tpu.memory_space<vmem>> -> memref<1x1x64x128xf32, #tpu.memory_space<vmem>>
      %gather3A_328 = tpu.memref_squeeze %gather3A_327 : memref<1x1x64x128xf32, #tpu.memory_space<vmem>> -> memref<64x128xf32, #tpu.memory_space<vmem>>
      %gather3A_329 = tpu.vector_load_idx %gather3A_328[%add3A_323, %broadcast_in_dim3A_302] : memref<64x128xf32, #tpu.memory_space<vmem>>[vector<16xi32>, vector<16xi32>], vector<16xf32>,
      tpu.vector_store_idx %arg7[%add3A_323, %broadcast_in_dim3A_303], %gather3A_329 : memref<64x512xf32, #tpu.memory_space<vmem>>[vector<16xi32>, vector<16xi32>], vector<16xf32>,
      %add3A_330 = arith.constant 48 : i32
      %add3A_331 = vector.broadcast %add3A_330 : i32 to vector<16xi32>
      %add3A_332 = arith.addi %iota3A, %add3A_331 : vector<16xi32>
      %gather3A_333 = arith.constant 0 : i32
      %gather3A_334 = arith.constant 0 : i32
      %gather3A_335 = arith.constant 0 : i32
      %gather3A_336 = tpu.memref_slice %arg6[%rem3A_222, %gather3A_333, %gather3A_334, %gather3A_335] : memref<4x2x64x128xf32, #tpu.memory_space<vmem>> -> memref<1x1x64x128xf32, #tpu.memory_space<vmem>>
      %gather3A_337 = tpu.memref_squeeze %gather3A_336 : memref<1x1x64x128xf32, #tpu.memory_space<vmem>> -> memref<64x128xf32, #tpu.memory_space<vmem>>
      %gather3A_338 = tpu.vector_load_idx %gather3A_337[%add3A_332, %broadcast_in_dim3A_302] : memref<64x128xf32, #tpu.memory_space<vmem>>[vector<16xi32>, vector<16xi32>], vector<16xf32>,
      tpu.vector_store_idx %arg7[%add3A_332, %broadcast_in_dim3A_303], %gather3A_338 : memref<64x512xf32, #tpu.memory_space<vmem>>[vector<16xi32>, vector<16xi32>], vector<16xf32>,
      %jit3A_339 = arith.constant 8 : i32
      %div3A_340 = arith.divsi %scan3A_220, %jit3A_339 : i32
      %sign3A_341 = arith.constant 0 : i32
      %sign3A_342 = arith.cmpi sgt, %scan3A_220, %sign3A_341 : i32
      %sign3A_343 = arith.extui %sign3A_342 : i1 to i32
      %sign3A_344 = arith.constant 0 : i32
      %sign3A_345 = arith.cmpi slt, %scan3A_220, %sign3A_344 : i32
      %sign3A_346 = arith.extui %sign3A_345 : i1 to i32
      %sign3A_347 = arith.subi %sign3A_343, %sign3A_346 : i32
      %sign3A_348 = arith.constant 0 : i32
      %sign3A_349 = arith.cmpi sgt, %jit3A_339, %sign3A_348 : i32
      %sign3A_350 = arith.extui %sign3A_349 : i1 to i32
      %sign3A_351 = arith.constant 0 : i32
      %sign3A_352 = arith.cmpi slt, %jit3A_339, %sign3A_351 : i32
      %sign3A_353 = arith.extui %sign3A_352 : i1 to i32
      %sign3A_354 = arith.subi %sign3A_350, %sign3A_353 : i32
      %ne3A_355 = arith.cmpi ne, %sign3A_347, %sign3A_354 : i32
      %rem3A_356 = arith.remsi %scan3A_220, %jit3A_339 : i32
      %ne3A_357 = arith.constant 0 : i32
      %ne3A_358 = arith.cmpi ne, %rem3A_356, %ne3A_357 : i32
      %and3A_359 = arith.andi %ne3A_355, %ne3A_358 : i1
      %sub3A_360 = arith.constant 1 : i32
      %sub3A_361 = arith.subi %div3A_340, %sub3A_360 : i32
      %select_n3A_362 = arith.select %and3A_359, %sub3A_361, %div3A_340 : i32
      %mul3A_363 = arith.constant 16 : i32
      %mul3A_364 = arith.muli %select_n3A_362, %mul3A_363 : i32
      %get3A_365 = arith.index_cast %mul3A_364 : i32 to index
      %get3A_366 = tpu.vector_load %arg5[%get3A_365] {strides = array<i32>} : memref<512xi32, #tpu.memory_space<vmem>>, vector<16xi32>,
      %rem3A_367 = arith.constant 8 : i32
      %rem3A_368 = arith.remsi %scan3A_220, %rem3A_367 : i32
      %mul3A_369 = arith.constant 2 : i32
      %mul3A_370 = arith.muli %rem3A_368, %mul3A_369 : i32
      %add3A_371 = arith.constant 1 : i32
      %add3A_372 = arith.addi %mul3A_370, %add3A_371 : i32
      %eq3A_373 = vector.broadcast %add3A_372 : i32 to vector<16xi32>
      %eq3A_374 = arith.cmpi eq, %iota3A, %eq3A_373 : vector<16xi32>
      %jit3A_375 = arith.constant 0 : i32
      %broadcast_in_dim3A_376 = vector.broadcast %jit3A_375 : i32 to vector<16xi32>
      %select_n3A_377 = arith.select %eq3A_374, %get3A_366, %broadcast_in_dim3A_376 : vector<16xi1>, vector<16xi32>
      %reduce_sum3A_378 = arith.constant true
      %reduce_sum3A_379 = vector.broadcast %reduce_sum3A_378 : i1 to vector<16xi1>
      %reduce_sum3A_380 = tpu.scan <sum>, %select_n3A_377 masked %reduce_sum3A_379 : vector<16xi32>, vector<16xi1> -> vector<16xi32>
      %reduce_sum3A_381 = vector.extract %reduce_sum3A_380[15] : i32 from vector<16xi32>
      %mul3A_382 = arith.constant 2 : i32
      %mul3A_383 = arith.muli %scan3A_220, %mul3A_382 : i32
      %add3A_384 = arith.constant 1 : i32
      %add3A_385 = arith.addi %mul3A_383, %add3A_384 : i32
      %and3A_386 = arith.constant 127 : i32
      %and3A_387 = arith.andi %reduce_sum3A_381, %and3A_386 : i32
      %broadcast_in_dim3A_388 = vector.broadcast %and3A_387 : i32 to vector<16xi32>
      %broadcast_in_dim3A_389 = vector.broadcast %add3A_385 : i32 to vector<16xi32>
      %add3A_390 = arith.constant 0 : i32
      %add3A_391 = vector.broadcast %add3A_390 : i32 to vector<16xi32>
      %add3A_392 = arith.addi %iota3A, %add3A_391 : vector<16xi32>
      %gather3A_393 = arith.constant 1 : i32
      %gather3A_394 = arith.constant 0 : i32
      %gather3A_395 = arith.constant 0 : i32
      %gather3A_396 = tpu.memref_slice %arg6[%rem3A_222, %gather3A_393, %gather3A_394, %gather3A_395] : memref<4x2x64x128xf32, #tpu.memory_space<vmem>> -> memref<1x1x64x128xf32, #tpu.memory_space<vmem>>
      %gather3A_397 = tpu.memref_squeeze %gather3A_396 : memref<1x1x64x128xf32, #tpu.memory_space<vmem>> -> memref<64x128xf32, #tpu.memory_space<vmem>>
      %gather3A_398 = tpu.vector_load_idx %gather3A_397[%add3A_392, %broadcast_in_dim3A_388] : memref<64x128xf32, #tpu.memory_space<vmem>>[vector<16xi32>, vector<16xi32>], vector<16xf32>,
      tpu.vector_store_idx %arg7[%add3A_392, %broadcast_in_dim3A_389], %gather3A_398 : memref<64x512xf32, #tpu.memory_space<vmem>>[vector<16xi32>, vector<16xi32>], vector<16xf32>,
      %add3A_399 = arith.constant 16 : i32
      %add3A_400 = vector.broadcast %add3A_399 : i32 to vector<16xi32>
      %add3A_401 = arith.addi %iota3A, %add3A_400 : vector<16xi32>
      %gather3A_402 = arith.constant 1 : i32
      %gather3A_403 = arith.constant 0 : i32
      %gather3A_404 = arith.constant 0 : i32
      %gather3A_405 = tpu.memref_slice %arg6[%rem3A_222, %gather3A_402, %gather3A_403, %gather3A_404] : memref<4x2x64x128xf32, #tpu.memory_space<vmem>> -> memref<1x1x64x128xf32, #tpu.memory_space<vmem>>
      %gather3A_406 = tpu.memref_squeeze %gather3A_405 : memref<1x1x64x128xf32, #tpu.memory_space<vmem>> -> memref<64x128xf32, #tpu.memory_space<vmem>>
      %gather3A_407 = tpu.vector_load_idx %gather3A_406[%add3A_401, %broadcast_in_dim3A_388] : memref<64x128xf32, #tpu.memory_space<vmem>>[vector<16xi32>, vector<16xi32>], vector<16xf32>,
      tpu.vector_store_idx %arg7[%add3A_401, %broadcast_in_dim3A_389], %gather3A_407 : memref<64x512xf32, #tpu.memory_space<vmem>>[vector<16xi32>, vector<16xi32>], vector<16xf32>,
      %add3A_408 = arith.constant 32 : i32
      %add3A_409 = vector.broadcast %add3A_408 : i32 to vector<16xi32>
      %add3A_410 = arith.addi %iota3A, %add3A_409 : vector<16xi32>
      %gather3A_411 = arith.constant 1 : i32
      %gather3A_412 = arith.constant 0 : i32
      %gather3A_413 = arith.constant 0 : i32
      %gather3A_414 = tpu.memref_slice %arg6[%rem3A_222, %gather3A_411, %gather3A_412, %gather3A_413] : memref<4x2x64x128xf32, #tpu.memory_space<vmem>> -> memref<1x1x64x128xf32, #tpu.memory_space<vmem>>
      %gather3A_415 = tpu.memref_squeeze %gather3A_414 : memref<1x1x64x128xf32, #tpu.memory_space<vmem>> -> memref<64x128xf32, #tpu.memory_space<vmem>>
      %gather3A_416 = tpu.vector_load_idx %gather3A_415[%add3A_410, %broadcast_in_dim3A_388] : memref<64x128xf32, #tpu.memory_space<vmem>>[vector<16xi32>, vector<16xi32>], vector<16xf32>,
      tpu.vector_store_idx %arg7[%add3A_410, %broadcast_in_dim3A_389], %gather3A_416 : memref<64x512xf32, #tpu.memory_space<vmem>>[vector<16xi32>, vector<16xi32>], vector<16xf32>,
      %add3A_417 = arith.constant 48 : i32
      %add3A_418 = vector.broadcast %add3A_417 : i32 to vector<16xi32>
      %add3A_419 = arith.addi %iota3A, %add3A_418 : vector<16xi32>
      %gather3A_420 = arith.constant 1 : i32
      %gather3A_421 = arith.constant 0 : i32
      %gather3A_422 = arith.constant 0 : i32
      %gather3A_423 = tpu.memref_slice %arg6[%rem3A_222, %gather3A_420, %gather3A_421, %gather3A_422] : memref<4x2x64x128xf32, #tpu.memory_space<vmem>> -> memref<1x1x64x128xf32, #tpu.memory_space<vmem>>
      %gather3A_424 = tpu.memref_squeeze %gather3A_423 : memref<1x1x64x128xf32, #tpu.memory_space<vmem>> -> memref<64x128xf32, #tpu.memory_space<vmem>>
      %gather3A_425 = tpu.vector_load_idx %gather3A_424[%add3A_419, %broadcast_in_dim3A_388] : memref<64x128xf32, #tpu.memory_space<vmem>>[vector<16xi32>, vector<16xi32>], vector<16xf32>,
      tpu.vector_store_idx %arg7[%add3A_419, %broadcast_in_dim3A_389], %gather3A_425 : memref<64x512xf32, #tpu.memory_space<vmem>>[vector<16xi32>, vector<16xi32>], vector<16xf32>,
    }
    %scan3A_219 = arith.constant 256 : i32
    "tpu.region"() ({
      %run_scoped3A = tpu.sem_alloc : memref<!tpu.dma_semaphore, #tpu.memory_space<semaphore_mem>>
      %dma_start3A_220 = arith.constant 0 : i32
      %dma_start3A_221 = tpu.memref_slice %arg4[%dma_start3A_220, %mul3A_2] : memref<64x16384xf32, #tpu.memory_space<hbm>> -> memref<64x512xf32, #tpu.memory_space<hbm>>
      %dma_start3A_222 = arith.constant 0 : i32
      %dma_start3A_223 = tpu.memref_slice %arg4[%dma_start3A_222, %mul3A_2] : memref<64x16384xf32, #tpu.memory_space<hbm>> -> memref<64x512xf32, #tpu.memory_space<hbm>>
      tpu.enqueue_dma source(%arg7 : memref<64x512xf32, #tpu.memory_space<vmem>>) target(%dma_start3A_223 : memref<64x512xf32, #tpu.memory_space<hbm>>) target_semaphore(%run_scoped3A : memref<!tpu.dma_semaphore, #tpu.memory_space<semaphore_mem>>)
      %dma_wait3A = arith.constant 0 : i32
      %dma_wait3A_224 = tpu.memref_slice %arg4[%dma_wait3A, %mul3A_2] : memref<64x16384xf32, #tpu.memory_space<hbm>> -> memref<64x512xf32, #tpu.memory_space<hbm>>
      %dma_wait3A_225 = arith.constant 0 : i32
      %dma_wait3A_226 = tpu.memref_slice %arg4[%dma_wait3A_225, %mul3A_2] : memref<64x16384xf32, #tpu.memory_space<hbm>> -> memref<64x512xf32, #tpu.memory_space<hbm>>
      tpu.wait_dma2 semaphore(%run_scoped3A : memref<!tpu.dma_semaphore, #tpu.memory_space<semaphore_mem>>) src(%arg7 : memref<64x512xf32, #tpu.memory_space<vmem>>) dst(%dma_wait3A_226 : memref<64x512xf32, #tpu.memory_space<hbm>>)
      tpu.yield
    }) : () -> ()
    return
  }
}

</mosaic_0001>

<sc_bundles>
// kernel: kernel.3.cloned.1.call-start
scs
__scs_entry_jumppad:
0x0: {  	(pc) =	sbr.rel $0x88, $3  }
0x1: {  	(tag) =	ssettag $0x0;
	lr =	simm.s32 $0x1  }
0x2: {  	[smem:$0x3F9F] =	sst lr;
	_ =	strace $0xD0000000  }
0x3: {  	_ = 	snop  }
0x4: {  	_ = 	snop  }
0x5: {  	_ = 	snop  }
0x6: {  	_ = 	snop  }
0x7: {  	_ = 	snop  }
__scs_overlays_trampoline_lowered:
0x8: {  	[smem:$0x3FAE] =	sst s0  }
0x9: {  	[smem:$0x3FAF] =	sst s1  }
0xa: {  	[smem:$0x3FB0] =	sst s2  }
0xb: {  	[smem:$0x3FB1] =	sst s3  }
0xc: {  	[smem:$0x3FB2] =	sst s4  }
0xd: {  	[smem:$0x3FB3] =	sst s5  }
0xe: {  	[smem:$0x3FB4] =	sst s6  }
0xf: {  	[smem:$0x3FB5] =	sst s7  }
0x10: {  	[smem:$0x3FB6] =	sst s8  }
0x11: {  	[smem:$0x3FB7] =	sst s9;
	s0 =	simm.s32 @!p0 $0x0  }
0x12: {  	s1 =	sld [smem:$0x3F9D];
	s0 =	simm.s32 @p0 $0x1  }
0x13: {  	[smem:$0x3FB8] =	sst s0;
	s0 =	simm.s32 @!p1 $0x0  }
0x14: {  	s2 =	sld [smem:$0x3F9C];
	s0 =	simm.s32 @p1 $0x1  }
0x15: {  	[smem:$0x3FB9] =	sst s0;
	s0 =	simm.s32 @!p2 $0x0  }
0x16: {  	s3 =	sld [smem:$0x3FDB];
	s0 =	simm.s32 @p2 $0x1  }
0x17: {  	s4 =	simm.s32 $0x1BF5;
	[smem:$0x3FBB] =	sst s0  }
0x18: {  	s0 =	sld [smem:$0x3F9E];
	_ =	swait.ge [sflag:s4], $0x0  }
0x19: {  	s7 =	sld [smem:$0x3F9F]  }
0x1a: {  	s8 =	sadd.s32 $0xFFFFE003, lr  }
0x1b: {  	s9 =	sadd.s32 $0xFFFFFEF7, lr;
	s5 =	simm.s32 $0xFFFFFFFF;
	p2 =	slt.u32 s8, $0xFFFFF086  }
0x1c: {  	p1 =	slt.u32 s9, $0xF7A;
	s5 =	simm.s32 @!p2 $0x0  }
0x1d: {  	s5 =	simm.s32 @p1 $0x1;
	p0 =	seq.s32 s7, s2  }
0x1e: {  	s7 =	smul.u32 @!p0 $0xF7A, s2;
	p2 =	seq.s32 @!p0 s5, $0x0  }
0x1f: {  	s9 =	smul.u32 $0xF7A, s1;
	s8 =	simm.s32 @!p0 $0x1BF5;
	p2 =	por !p2, p0  }
0x20: {  	[sflag:s8] =	ssyncset.s32 @!p0 $0xFFFFF086;
	s6 =	sadd.s32 @!p0 s3, s7;
	s7 =	simm.s32 @!p0 $0x108  }
0x21: {  	s3 =	sadd.s32 s3, s9;
	s6 =	sadd.s32 @!p0 $0x88, s6;
	s7 =	simm.s32 @p2 $0x1082  }
0x22: {  	[simem:s7], [sflag:s8] =	dma.local @!p0 [hbm:s6], $0xF7A  }
0x23: {  	s9 =	sor.u32 $0xD0000000, s2;
	s6 =	simm.s32 $0x108;
	_ =	swait.ge @!p0 [sflag:s8], $0x0  }
0x24: {  	s3 =	sadd.s32 $0x88, s3;
	s6 =	simm.s32 @!p1 $0x1082;
	[sflag:s4] =	ssyncset.s32 $0xFFFFF086  }
0x25: {  	[simem:s6], [sflag:s4] =	dma.local [hbm:s3], $0xF7A  }
0x26: {  	[smem:$0x3F9F] =	sst s1;
	(tag) =	ssettag s2;
	_ =	strace s9  }
0x27: {  	s1 =	sld [smem:$0x3FAF]  }
0x28: {  	s2 =	sld [smem:$0x3FB0]  }
0x29: {  	s4 =	sld [smem:$0x3FB2]  }
0x2a: {  	p0 =	seq.s32 s5, $0x0;
	s5 =	sld [smem:$0x3FB3]  }
0x2b: {  	s6 =	sld [smem:$0x3FB4]  }
0x2c: {  	s7 =	sld [smem:$0x3FB5]  }
0x2d: {  	s3 =	simm.s32 $0x108;
	s8 =	sld [smem:$0x3FB6]  }
0x2e: {  	s3 =	simm.s32 @!p0 $0x1082;
	s9 =	sld [smem:$0x3FB7]  }
0x2f: {  	lr =	sadd.s32 s0, s3;
	s0 =	sld [smem:$0x3FAE]  }
0x30: {  	s3 =	sld [smem:$0x3FB1]  }
0x31: {  	[smem:$0x3FBA] =	sst s10  }
0x32: {  	s10 =	sld [smem:$0x3FB8];
	_ =	sdelay $0x3  }
0x33: {  	p0 =	seq.s32 s10, $0x1;
	s10 =	sld [smem:$0x3FBA];
	_ =	sdelay $0x3  }
0x34: {  	[smem:$0x3FBA] =	sst s10  }
0x35: {  	s10 =	sld [smem:$0x3FB9];
	_ =	sdelay $0x3  }
0x36: {  	p1 =	seq.s32 s10, $0x1;
	s10 =	sld [smem:$0x3FBA];
	_ =	sdelay $0x3  }
0x37: {  	[smem:$0x3FBA] =	sst s10  }
0x38: {  	s10 =	sld [smem:$0x3FBB]  }
0x39: {  	_ = 	snop;
	(pc) =	sbr.ind lr, $3  }
0x3a: {  	_ = 	snop  }
0x3b: {  	_ = 	snop  }
0x3c: {  	p2 =	seq.s32 s10, $0x1;
	s10 =	sld [smem:$0x3FBA]  }
0x3d: {  	_ =	shalt  }
0x3e: {  	_ =	shalt  }
0x3f: {  	_ =	shalt  }
0x40: {  	_ =	shalt  }
0x41: {  	_ =	shalt  }
0x42: {  	_ =	shalt  }
0x43: {  	_ =	shalt  }
0x44: {  	_ =	shalt  }
0x45: {  	_ =	shalt  }
0x46: {  	_ =	shalt  }
0x47: {  	_ =	shalt  }
0x48: {  	_ =	shalt  }
0x49: {  	_ =	shalt  }
0x4a: {  	_ =	shalt  }
0x4b: {  	_ =	shalt  }
0x4c: {  	_ =	shalt  }
0x4d: {  	_ =	shalt  }
0x4e: {  	_ =	shalt  }
0x4f: {  	_ =	shalt  }
0x50: {  	_ =	shalt  }
0x51: {  	_ =	shalt  }
0x52: {  	_ =	shalt  }
0x53: {  	_ =	shalt  }
0x54: {  	_ =	shalt  }
0x55: {  	_ =	shalt  }
0x56: {  	_ =	shalt  }
0x57: {  	_ =	shalt  }
0x58: {  	_ =	shalt  }
0x59: {  	_ =	shalt  }
0x5a: {  	_ =	shalt  }
0x5b: {  	_ =	shalt  }
0x5c: {  	_ =	shalt  }
0x5d: {  	_ =	shalt  }
0x5e: {  	_ =	shalt  }
0x5f: {  	_ =	shalt  }
0x60: {  	_ =	shalt  }
0x61: {  	_ =	shalt  }
0x62: {  	_ =	shalt  }
0x63: {  	_ =	shalt  }
0x64: {  	_ =	shalt  }
0x65: {  	_ =	shalt  }
0x66: {  	_ =	shalt  }
0x67: {  	_ =	shalt  }
0x68: {  	_ =	shalt  }
0x69: {  	_ =	shalt  }
0x6a: {  	_ =	shalt  }
0x6b: {  	_ =	shalt  }
0x6c: {  	_ =	shalt  }
0x6d: {  	_ =	shalt  }
0x6e: {  	_ =	shalt  }
0x6f: {  	_ =	shalt  }
0x70: {  	_ =	shalt  }
0x71: {  	_ =	shalt  }
0x72: {  	_ =	shalt  }
0x73: {  	_ =	shalt  }
0x74: {  	_ =	shalt  }
0x75: {  	_ =	shalt  }
0x76: {  	_ =	shalt  }
0x77: {  	_ =	shalt  }
0x78: {  	_ =	shalt  }
0x79: {  	_ =	shalt  }
0x7a: {  	_ =	shalt  }
0x7b: {  	_ =	shalt  }
0x7c: {  	_ =	shalt  }
0x7d: {  	_ =	shalt  }
0x7e: {  	_ =	shalt  }
0x7f: {  	_ =	shalt  }
0x80: {  	_ =	shalt  }
0x81: {  	_ =	shalt  }
0x82: {  	_ =	shalt  }
0x83: {  	_ =	shalt  }
0x84: {  	_ =	shalt  }
0x85: {  	_ =	shalt  }
0x86: {  	_ =	shalt  }
0x87: {  	_ =	shalt  }
.Lfunc_end0:
.L_simem_size_0:
called_computation_lowered:
.L_overlay_start_0:
0x88: {  	s2 =	sld [smem:$0x3FD9]  }
0x89: {  	s3 =	sld [smem:$0x3FFE];
	_ =	sdelay $0x1  }
0x8a: {  	s1 =	srdreg.scid  }
0x8b: {  	s0 =	sand.u32 $0x1, s1  }
0x8c: {  	s18 =	sshll.u32 s0, $0xA;
	s2 =	sadd.s32 s3, s2  }
0x8d: {  	s2 =	sadd.s32 s2, s18  }
0x8e: {  	[smem:$0x3FC6] =	sst s2  }
0x8f: {  	_ = 	snop  }
0x90: {  	s2 =	sld [smem:$0x3FC9]  }
0x91: {  	s19 =	sld [smem:$0x3FC8]  }
0x92: {  	s4 =	sld [smem:$0x3FD0];
	(tm) =	ssettm $0x1  }
0x93: {  	s5 =	sld [smem:$0x3FFB];
	_ =	sdelay $0x3  }
0x94: {  	_ =	strace s5  }
0x95: {  	s5 =	sld [smem:$0x3FFC];
	_ =	sdelay $0x3  }
0x96: {  	_ =	strace s5  }
0x97: {  	s5 =	sld [smem:$0x3FFD];
	_ =	sdelay $0x3  }
0x98: {  	_ =	strace s5  }
0x99: {  	_ =	strace $0x8FFFFFFF  }
0x9a: {  	s20 =	sld [smem:$0x3FDB];
	_ =	sdelay $0x1  }
0x9b: {  	s6 =	simm.s32 $_scs_section_size  }
0x9c: {  	s7 =	simm.s32 $_size__tile_overlayer_lowered;
	s8 =	simm.s32 $_tile_overlayer_lowered  }
0x9d: {  	s23 =	simm.s32 $0x1BFF;
	s22 =	sshll.u32 s8, $0x1;
	s5 =	sadd.s32 s6, s20  }
0x9e: {  	s9 =	simm.s32 $0x0;
	s21 =	sshll.u32 s7, $0x1;
	s7 =	sadd.s32 s22, s5  }
0x9f: {  	[timem:s9], [sflag:s23] =	dma.local [hbm:s7], s21  }
0xa0: {  	_ =	swait.ge [sflag:s23], s21  }
0xa1: {  	s6 =	ssub.s32 $0x0, s21;
	[sflag:s23] =	ssyncset.done $0x0  }
0xa2: {  	[sflag:s23] =	ssyncadd.s32 s6;
	_ =	sdelay $0x1  }
0xa3: {  	s24 =	simm.s32 $0x1B8B  }
0xa4: {  	_ =	swait.ge [sflag:s24], $0x1  }
0xa5: {  	[sflag:s24] =	ssyncset.done $0x0  }
0xa6: {  	s25 =	simm.s32 $0x1B8E;
	[sflag:s24] =	ssyncadd.s32 $0xFFFFFFFF  }
0xa7: {  	s26 =	simm.s32 $execute0_lowered;
	[smem:$0x3FD2] =	sst s25  }
0xa8: {  	s6 =	sshll.u32 s26, $0x1;
	_ =	strace $0x80000046;
	[dreg:$0x1] =	wrdreg $0xFFFFFFFF  }
0xa9: {  	s28 =	simm.s32 $_size_execute0_lowered;
	s5 =	sadd.s32 s5, s6;
	[dreg:$0x0] =	wrdreg $0x0  }
0xaa: {  	s6 =	sshll.u32 s28, $0x1;
	[dreg:$0x2] =	wrdreg s5  }
0xab: {  	[dreg:$0x3] =	wrdreg s6  }
0xac: {  	[dreg:$0x4] =	wrdreg $0xC0  }
0xad: {  	_ =	task [dreg:s9], $0x5FFFF  }
0xae: {  	[dreg:$0x1] =	wrdreg $0xFFFFFFFF  }
0xaf: {  	[dreg:$0x0] =	wrdreg $0x60  }
0xb0: {  	[dreg:$0x2] =	wrdreg s2  }
0xb1: {  	[dreg:$0x3] =	wrdreg s19  }
0xb2: {  	[dreg:$0x4] =	wrdreg s4  }
0xb3: {  	[dreg:$0x5] =	wrdreg $0x9  }
0xb4: {  	_ =	task.clear_ibuf [dreg:s9], $0x6FFFF;
	_ =	strace $0x90000046  }
0xb5: {  	s29 =	simm.s32 $0x9;
	_ =	strace $0x80000048  }
0xb6: {  	_ =	swait.ge [sflag:s29], $0x1  }
0xb7: {  	[sflag:s29] =	ssyncadd.s32 $0xFFFFFFFF  }
0xb8: {  	_ =	strace $0x90000048  }
0xb9: {  	_ =	sfence  }
0xba: {  	s30 =	sld [smem:$0x0];
	_ =	sdelay $0x2  }
0xbb: {  	s31 =	sshll.u32 s1, $0xD;
	s1 =	sshrl.u32 s1, $0x2  }
0xbc: {  	s3 =	sand.u32 $0x4000, s31;
	s1 =	sadd.s32 s1, s30  }
0xbd: {  	s0 =	sor.u32 s3, s0;
	s1 =	sshll.u32 s1, $0x11  }
0xbe: {  	s0 =	sor.u32 s1, s0  }
0xbf: {  	s0 =	sadd.s32 $0x8F2B, s0  }
0xc0: {  	[sflag:s0] =	ssyncadd.remote.s32 $0x1  }
0xc1: {  	_ =	sfence.sel $0xFFFF  }
0xc2: {  	[dreg:$0x0] =	wrdreg $0xFFFFFFFF;
	(pc) =	sbr.abs _section_cstart, $3  }
0xc3: {  	[dreg:$0x1] =	wrdreg $0xFFFFFFFF  }
0xc4: {  	_ =	task.clear_ibuf [dreg:s9], $0x2FFFF;
	_ =	strace $0x9FFFFFFF  }
0xc5: {  	(tm) =	ssettm $0x7FFFFFFF  }
tec
execute0_lowered:
.L_overlay_start_1:
0x0: {  	(tag) =	ssettag $0x1  }
0x1: {  	v0 =	vimm.s32 $0x1380;
	vm0 =	vcmask $0x300;
	vm1 =	vcmask $0x704  }
0x2: {  	vm3 =	vcmask $0xB08;
	vm4 =	vcmask $0xF0C;
	vm5 =	vcmask $0x1310  }
0x3: {  	vm6 =	vcmask $0x1714;
	vm2 =	vcmask $0x1B18;
	v1 =	vimm.s32 $0x3380  }
0x4: {  	v2 =	vimm.s32 $0x5380;
	v3 =	vimm.s32 $0x7380;
	vm7 =	vcmask $0x1F1C  }
0x5: {  	v0 =	vsel vm0, $0x0, v0;
	v1 =	vsel vm0, $0x2000, v1;
	v2 =	vsel vm0, $0x4000, v2  }
0x6: {  	v3 =	vsel vm0, $0x6000, v3;
	vm0 =	vmmov $0x1;
	v0 =	vsel vm1, $0x80, v0  }
0x7: {  	v1 =	vsel vm1, $0x2080, v1;
	v2 =	vsel vm1, $0x4080, v2;
	v3 =	vsel vm1, $0x6080, v3  }
0x8: {  	vm1 =	vcmask $0x308;
	v0 =	vsel vm3, $0x100, v0;
	v1 =	vsel vm3, $0x2100, v1  }
0x9: {  	v2 =	vsel vm3, $0x4100, v2;
	v3 =	vsel vm3, $0x6100, v3;
	vm3 =	vcmask $0x2320  }
0xa: {  	v0 =	vsel vm4, $0x180, v0;
	v1 =	vsel vm4, $0x2180, v1;
	v2 =	vsel vm4, $0x4180, v2  }
0xb: {  	v3 =	vsel vm4, $0x6180, v3;
	vm4 =	vcmask $0x2724;
	v0 =	vsel vm5, $0x200, v0  }
0xc: {  	v1 =	vsel vm5, $0x2200, v1;
	v2 =	vsel vm5, $0x4200, v2;
	v3 =	vsel vm5, $0x6200, v3  }
0xd: {  	vm5 =	vcmask $0x2B28;
	v0 =	vsel vm6, $0x280, v0;
	v1 =	vsel vm6, $0x2280, v1  }
0xe: {  	v2 =	vsel vm6, $0x4280, v2;
	v3 =	vsel vm6, $0x6280, v3;
	vm6 =	vcmask $0x2F2C  }
0xf: {  	v0 =	vsel vm2, $0x300, v0;
	v1 =	vsel vm2, $0x2300, v1;
	v2 =	vsel vm2, $0x4300, v2  }
0x10: {  	v3 =	vsel vm2, $0x6300, v3;
	vm2 =	vcmask $0x70C;
	v0 =	vsel vm7, $0x380, v0  }
0x11: {  	v1 =	vsel vm7, $0x2380, v1;
	v2 =	vsel vm7, $0x4380, v2;
	v3 =	vsel vm7, $0x6380, v3  }
0x12: {  	s4 =	rddreg [dreg:$0x0];
	v0 =	vsel vm3, $0x1000, v0;
	v1 =	vsel vm3, $0x3000, v1;
	v2 =	vsel vm3, $0x5000, v2  }
0x13: {  	s0 =	rddreg [dreg:$0x1];
	v3 =	vsel vm3, $0x7000, v3;
	vm3 =	vcmask $0xB10;
	v0 =	vsel vm4, $0x1080, v0  }
0x14: {  	s5 =	rddreg [dreg:$0x2];
	v1 =	vsel vm4, $0x3080, v1;
	v2 =	vsel vm4, $0x5080, v2;
	v3 =	vsel vm4, $0x7080, v3  }
0x15: {  	s3 =	srdreg.scid;
	s1 =	stileid.u32;
	s2 =	simm.s32 $0x0;
	vm4 =	vcmask $0xF14;
	v0 =	vsel vm5, $0x1100, v0;
	v1 =	vsel vm5, $0x3100, v1  }
0x16: {  	s10 =	simm.s32 $0x200;
	s11 =	simm.s32 $0x2200;
	s12 =	simm.s32 $0x4200;
	v2 =	vsel vm5, $0x5100, v2;
	v3 =	vsel vm5, $0x7100, v3;
	vm5 =	vcmask $0x3330  }
0x17: {  	s13 =	simm.s32 $0x6200;
	s14 =	simm.s32 $0x8200;
	s15 =	simm.s32 $0xA200;
	v0 =	vsel vm6, $0x1180, v0;
	v1 =	vsel vm6, $0x3180, v1;
	v2 =	vsel vm6, $0x5180, v2  }
0x18: {  	s16 =	simm.s32 $0x1;
	s17 =	simm.s32 $0x10200;
	s18 =	simm.s32 $0x1000;
	v3 =	vsel vm6, $0x7180, v3;
	v4 =	vsel vm5, $0x1200, v0;
	v1 =	vsel vm5, $0x3200, v1  }
0x19: {  	s19 =	simm.s32 $0x20000;
	s20 =	simm.s32 $0x0;
	s6 =	sand.u32 $0x1, s3;
	v2 =	vsel vm5, $0x5200, v2;
	v3 =	vsel vm5, $0x7200, v3;
	vm5 =	vcmask $0x3734  }
0x1a: {  	s7 =	sshll.u32 s1, $0xA;
	[smem:$0x7FF] =	sst s2;
	s8 =	sshll.u32 s6, $0x9;
	v0 =	vlaneseq.u32;
	v4 =	vsel vm5, $0x1280, v4;
	v5 =	vsel vm5, $0x3280, v1  }
0x1b: {  	s6 =	ssub.s32 $0x2, s6;
	_ =	strace $0x80000047;
	s7 =	sor.u32 s8, s7;
	v6 =	vsel vm5, $0x5280, v2;
	v7 =	vsel vm5, $0x7280, v3;
	vm5 =	vcmask $0x3B38  }
0x1c: {  	s31 =	sshrl.u32 s6, $0x1;
	s8 =	simm.s32 $0x7A1400;
	s9 =	sshrl.u32 s7, $0x3;
	v1 =	vmul.u32 $0x80, v0;
	v2 =	vsel vm5, $0x1300, v4;
	v3 =	vsel vm5, $0x3300, v5  }
0x1d: {  	s6 =	ssub.s32 s6, s31;
	s5 =	sadd.s32 s5, s7;
	s7 =	simm.s32 $0x2;
	v4 =	vsel vm5, $0x5300, v6;
	v5 =	vsel vm5, $0x7300, v7;
	vm5 =	vcmask $0x1318  }
0x1e: {  	s4 =	sadd.s32 s4, s9;
	s6 =	smax.u32 s6, $0x1;
	s9 =	simm.s32 $0x400;
	v6 =	vor.u32 $0x800, v1;
	v7 =	vor.u32 $0x1000, v1;
	v8 =	vor.u32 $0x1800, v1  }
.LBB2_1:
0x1f: {  	s1 =	simm.s32 $0x0  }
0x20: {  	[tilespmem:s1], [sflag:$0x2] =	stream.linear.gather [hbm4b:s4+s1], $0x200, $0x38;
	[tilespmem:$0x18200] =	vst v63  }
0x21: {  	_ =	swait.ge [sflag:s7], $0x200  }
0x22: {  	[sflag:s7] =	ssyncset.done $0x0  }
0x23: {  	[sflag:s7] =	ssyncadd.s32 $0xFFFFFE00  }
0x24: {  	v9 =	vld [tilespmem:$0x0];
	_ =	sdelay $0x4  }
0x25: {  	v9 =	vnsel vm0, $0x0, v9  }
0x26: {  	(xrf0) =	vadd.scan.msk.s32 $0xffff, v9;
	_ =	sdelay $0x5  }
0x27: {  	v9, _, _ =	vpop (xrf0)  }
0x28: {  	(v2sf) =	vpush v9, $0xF;
	_ =	sdelay $0xe  }
0x29: {  	s21 =	spop (v2sf)  }
0x2a: {  	s21 =	sand.u32 $0xFFFFF80, s21  }
0x2b: {  	s21 =	sadd.s32 s0, s21  }
0x2c: {  	[tilespmem:s10], [sflag:$0x1] =	stream.strided.gather [hbm4b:s21+s9], $0x2000, s8, s9, $0x38;
	[tilespmem:$0x18200] =	vst v63  }
0x2d: {  	v9 =	vld [tilespmem:$0x0];
	_ =	sdelay $0x4  }
0x2e: {  	v9 =	vsel vm1, $0x0, v9  }
0x2f: {  	(xrf0) =	vadd.scan.msk.s32 $0xffff, v9;
	_ =	sdelay $0x5  }
0x30: {  	v9, _, _ =	vpop (xrf0)  }
0x31: {  	(v2sf) =	vpush v9, $0xF;
	_ =	sdelay $0xe  }
0x32: {  	s3 =	spop (v2sf)  }
0x33: {  	s21 =	sand.u32 $0xFFFFF80, s3  }
0x34: {  	s21 =	sadd.s32 s0, s21  }
0x35: {  	[tilespmem:s11], [sflag:$0x1] =	stream.strided.gather [hbm4b:s21+s9], $0x2000, s8, s9, $0x38;
	[tilespmem:$0x18200] =	vst v63  }
0x36: {  	v9 =	vld [tilespmem:$0x0];
	_ =	sdelay $0x4  }
0x37: {  	v9 =	vsel vm2, $0x0, v9  }
0x38: {  	(xrf0) =	vadd.scan.msk.s32 $0xffff, v9;
	_ =	sdelay $0x5  }
0x39: {  	v9, _, _ =	vpop (xrf0)  }
0x3a: {  	(v2sf) =	vpush v9, $0xF;
	_ =	sdelay $0xe  }
0x3b: {  	s22 =	spop (v2sf)  }
0x3c: {  	s21 =	sand.u32 $0xFFFFF80, s22  }
0x3d: {  	s21 =	sadd.s32 s0, s21  }
0x3e: {  	[tilespmem:s12], [sflag:$0x1] =	stream.strided.gather [hbm4b:s21+s9], $0x2000, s8, s9, $0x38;
	[tilespmem:$0x18200] =	vst v63  }
0x3f: {  	v9 =	vld [tilespmem:$0x0];
	_ =	sdelay $0x4  }
0x40: {  	v9 =	vsel vm3, $0x0, v9  }
0x41: {  	(xrf0) =	vadd.scan.msk.s32 $0xffff, v9;
	_ =	sdelay $0x5  }
0x42: {  	v9, _, _ =	vpop (xrf0)  }
0x43: {  	(v2sf) =	vpush v9, $0xF;
	_ =	sdelay $0xe  }
0x44: {  	s23 =	spop (v2sf)  }
0x45: {  	s21 =	sand.u32 $0xFFFFF80, s23  }
0x46: {  	s21 =	sadd.s32 s0, s21  }
0x47: {  	[tilespmem:s13], [sflag:$0x1] =	stream.strided.gather [hbm4b:s21+s9], $0x2000, s8, s9, $0x38;
	[tilespmem:$0x18200] =	vst v63  }
0x48: {  	v9 =	vld [tilespmem:$0x0];
	_ =	sdelay $0x4  }
0x49: {  	v9 =	vsel vm4, $0x0, v9  }
0x4a: {  	(xrf0) =	vadd.scan.msk.s32 $0xffff, v9;
	_ =	sdelay $0x5  }
0x4b: {  	v9, _, _ =	vpop (xrf0)  }
0x4c: {  	(v2sf) =	vpush v9, $0xF;
	_ =	sdelay $0xe  }
0x4d: {  	s24 =	spop (v2sf)  }
0x4e: {  	s21 =	sand.u32 $0xFFFFF80, s24  }
0x4f: {  	s21 =	sadd.s32 s0, s21  }
0x50: {  	[tilespmem:s14], [sflag:$0x1] =	stream.strided.gather [hbm4b:s21+s9], $0x2000, s8, s9, $0x38;
	[tilespmem:$0x18200] =	vst v63  }
0x51: {  	v9 =	vld [tilespmem:$0x0];
	_ =	sdelay $0x4  }
0x52: {  	v9 =	vsel vm5, $0x0, v9  }
0x53: {  	(xrf0) =	vadd.scan.msk.s32 $0xffff, v9;
	_ =	sdelay $0x5  }
0x54: {  	v9, _, _ =	vpop (xrf0)  }
0x55: {  	(v2sf) =	vpush v9, $0xF;
	_ =	sdelay $0xe  }
0x56: {  	s25 =	spop (v2sf)  }
0x57: {  	s21 =	sand.u32 $0xFFFFF80, s25  }
0x58: {  	p0 =	por $0x0, $0x0;
	s21 =	sadd.s32 s0, s21  }
0x59: {  	[tilespmem:s15], [sflag:$0x1] =	stream.strided.gather [hbm4b:s21+s9], $0x2000, s8, s9, $0x38;
	[tilespmem:$0x18200] =	vst v63  }
0x5a: {  	s21 =	simm.s32 @!p0 $0x6  }
0x5b: {  	s21 =	sand.u32 @!p0 $0x3F0, s21  }
0x5c: {  	v9 =	vld @!p0 [tilespmem:s21+$0x0]  }
0x5d: {  	s22 =	simm.s32 $0x6  }
0x5e: {  	s22 =	sand.u32 @!p0 $0xE, s22  }
0x5f: {  	v11 =	vlaneseq.u32 @!p0;
	v10 =	vmov @!p0 s22  }
0x60: {  	vm6 =	veq.s32 @!p0 v10, v11  }
0x61: {  	v9 =	vnsel @!p0 vm6, $0x0, v9  }
0x62: {  	(xrf0) =	vadd.scan.msk.s32 @!p0 $0xffff, v9;
	_ =	sdelay $0x5  }
0x63: {  	v9, _, _ =	vpop @!p0 (xrf0)  }
0x64: {  	(v2sf) =	vpush @!p0 v9, $0xF;
	_ =	sdelay $0xe  }
0x65: {  	s23 =	simm.s32 $0xC000;
	s24 =	spop @!p0 (v2sf)  }
0x66: {  	s28 =	simm.s32 @!p0 $0x400;
	s23 =	sand.u32 @!p0 $0xC000, s23;
	s24 =	sand.u32 @!p0 $0xFFFFF80, s24  }
0x67: {  	s26 =	sor.u32 @!p0 $0x200, s23;
	s25 =	simm.s32 @!p0 $0x7A1400;
	s24 =	sadd.s32 @!p0 s0, s24  }
0x68: {  	[tilespmem:s26], [sflag:$0x1] =	stream.strided.gather @!p0 [hbm4b:s24+s28], $0x2000, s25, s28, $0x38;
	[tilespmem:$0x18200] =	vst v63  }
0x69: {  	v9 =	vld @!p0 [tilespmem:s21+$0x0];
	_ =	sdelay $0x1  }
0x6a: {  	s21 =	sor.u32 @!p0 $0x1, s22  }
0x6b: {  	v10 =	vmov @!p0 s21  }
0x6c: {  	vm6 =	veq.s32 @!p0 v10, v11  }
0x6d: {  	v9 =	vnsel @!p0 vm6, $0x0, v9  }
0x6e: {  	(xrf0) =	vadd.scan.msk.s32 @!p0 $0xffff, v9;
	_ =	sdelay $0x5  }
0x6f: {  	v9, _, _ =	vpop @!p0 (xrf0)  }
0x70: {  	(v2sf) =	vpush @!p0 v9, $0xF;
	_ =	sdelay $0xe  }
0x71: {  	s21 =	spop @!p0 (v2sf)  }
0x72: {  	s21 =	sand.u32 @!p0 $0xFFFFF80, s21  }
0x73: {  	s22 =	sor.u32 @!p0 $0x2200, s23;
	s21 =	sadd.s32 @!p0 s0, s21  }
0x74: {  	[tilespmem:s22], [sflag:$0x1] =	stream.strided.gather @!p0 [hbm4b:s21+s28], $0x2000, s25, s28, $0x38;
	[tilespmem:$0x18200] =	vst v63  }
0x75: {  	_ =	swait.ge [sflag:s16], $0x2000  }
0x76: {  	[sflag:s16] =	ssyncset.done $0x0  }
0x77: {  	[sflag:s16] =	ssyncadd.s32 $0xFFFFE000  }
0x78: {  	s26 =	simm.s32 $0x0;
	_ =	swait.ge [sflag:s16], $0x2000  }
0x79: {  	s21 =	sand.u32 $0x7C0, s26;
	[sflag:s16] =	ssyncset.done $0x0  }
0x7a: {  	s21 =	sshrl.u32 s21, $0x2;
	[sflag:s16] =	ssyncadd.s32 $0xFFFFE000  }
0x7b: {  	v9 =	vld [tilespmem:s21+$0x0]  }
0x7c: {  	s30 =	simm.s32 $0x0  }
0x7d: {  	s31 =	sand.u32 $0xE, s30  }
0x7e: {  	v10 =	vmov s31  }
0x7f: {  	vm6 =	veq.s32 v10, v0  }
0x80: {  	v9 =	vnsel vm6, $0x0, v9  }
0x81: {  	(xrf0) =	vadd.scan.msk.s32 $0xffff, v9;
	_ =	sdelay $0x5  }
0x82: {  	v9, _, _ =	vpop (xrf0)  }
0x83: {  	(v2sf) =	vpush v9, $0xF;
	_ =	sdelay $0xe  }
0x84: {  	s1 =	spop (v2sf)  }
0x85: {  	s24 =	sand.u32 $0x7F, s1  }
0x86: {  	v9 =	vor.u32 s24, v1  }
0x87: {  	v10 =	vmov s30  }
0x88: {  	s2 =	simm.s32 $0x0;
	v11 =	vshll.u32 v10, $0x3  }
0x89: {  	v10 =	vand.u32 $0x7E, v10;
	v11 =	vand.u32 $0xC00, v11;
	s22 =	sand.u32 $0xC000, s2  }
0x8a: {  	v10 =	vor.u32 v10, v11;
	s3 =	sor.u32 $0x200, s22  }
0x8b: {  	v11 =	vor.u32 v2, v10;
	v9 =	vld.idx.msk [tilespmem:v9+s3+$0x0], $0xffff  }
0x8c: {  	v12 =	vor.u32 s24, v6;
	_ =	sdelay $0x3  }
0x8d: {  	[tilespmem:v11+s17+$0x0] =	vst.idx.msk $0xffff, v9  }
0x8e: {  	v11 =	vor.u32 v3, v10;
	v9 =	vld.idx.msk [tilespmem:v12+s3+$0x0], $0xffff  }
0x8f: {  	v59 =	vor.u32 s24, v7;
	_ =	sdelay $0x3  }
0x90: {  	[tilespmem:v11+s17+$0x0] =	vst.idx.msk $0xffff, v9  }
0x91: {  	v11 =	vor.u32 v4, v10;
	v9 =	vld.idx.msk [tilespmem:v59+s3+$0x0], $0xffff  }
0x92: {  	v60 =	vor.u32 s24, v8;
	_ =	sdelay $0x3  }
0x93: {  	[tilespmem:v11+s17+$0x0] =	vst.idx.msk $0xffff, v9  }
0x94: {  	v10 =	vor.u32 v5, v10;
	v9 =	vld.idx.msk [tilespmem:v60+s3+$0x0], $0xffff;
	_ =	sdelay $0x4  }
0x95: {  	[tilespmem:v10+s17+$0x0] =	vst.idx.msk $0xffff, v9  }
0x96: {  	v9 =	vld [tilespmem:s21+$0x0];
	_ =	sdelay $0x1  }
0x97: {  	s25 =	sor.u32 $0x1, s31  }
0x98: {  	v10 =	vmov s25  }
0x99: {  	vm6 =	veq.s32 v10, v0  }
0x9a: {  	v9 =	vnsel vm6, $0x0, v9  }
0x9b: {  	(xrf0) =	vadd.scan.msk.s32 $0xffff, v9;
	_ =	sdelay $0x5  }
0x9c: {  	v9, _, _ =	vpop (xrf0)  }
0x9d: {  	(v2sf) =	vpush v9, $0xF;
	_ =	sdelay $0xe  }
0x9e: {  	s26 =	spop (v2sf)  }
0x9f: {  	s21 =	sand.u32 $0x7F, s26  }
0xa0: {  	s30 =	simm.s32 $0x1;
	v9 =	vor.u32 s21, v1  }
0xa1: {  	v10 =	vmov s30  }
0xa2: {  	v11 =	vshll.u32 v10, $0x3  }
0xa3: {  	v10 =	vand.u32 $0x7F, v10;
	v11 =	vand.u32 $0xC00, v11  }
0xa4: {  	s31 =	sor.u32 $0x2200, s22;
	v10 =	vor.u32 v10, v11  }
0xa5: {  	v11 =	vor.u32 v2, v10;
	v9 =	vld.idx.msk [tilespmem:v9+s31+$0x0], $0xffff  }
0xa6: {  	v61 =	vor.u32 s21, v6;
	_ =	sdelay $0x3  }
0xa7: {  	[tilespmem:v11+s17+$0x0] =	vst.idx.msk $0xffff, v9  }
0xa8: {  	v11 =	vor.u32 v3, v10;
	v9 =	vld.idx.msk [tilespmem:v61+s31+$0x0], $0xffff  }
0xa9: {  	v62 =	vor.u32 s21, v7;
	_ =	sdelay $0x3  }
0xaa: {  	[tilespmem:v11+s17+$0x0] =	vst.idx.msk $0xffff, v9  }
0xab: {  	v11 =	vor.u32 v4, v10;
	v9 =	vld.idx.msk [tilespmem:v62+s31+$0x0], $0xffff  }
0xac: {  	v63 =	vor.u32 s21, v8;
	_ =	sdelay $0x3  }
0xad: {  	[tilespmem:v11+s17+$0x0] =	vst.idx.msk $0xffff, v9  }
0xae: {  	v10 =	vor.u32 v5, v10;
	v9 =	vld.idx.msk [tilespmem:v63+s31+$0x0], $0xffff;
	_ =	sdelay $0x1  }
0xaf: {  	p1 =	por $0x0, $0x0;
	s23 =	simm.s32 $0x20;
	s22 =	simm.s32 $0x10000  }
0xb0: {  	s28 =	sand.u32 @!p1 $0xC000, s22;
	s24 =	simm.s32 $0xA;
	s21 =	simm.s32 $0x8  }
0xb1: {  	s25 =	simm.s32 $0x1;
	s26 =	simm.s32 @!p1 $0x8;
	s29 =	sand.u32 @!p1 $0xE, s21  }
.LBB2_2:
0xb2: {  	s30 =	sand.u32 @!p1 $0x3F0, s26;
	[tilespmem:v10+s17+$0x0] =	vst.idx.msk $0xffff, v9;
	s26 =	smov.u32 s24;
	s24 =	sadd.s32 $0x2, s24  }
0xb3: {  	p0 =	sne.s32 s24, $0x206;
	v9 =	vld @!p1 [tilespmem:s30+$0x0];
	_ =	sdelay $0x2  }
0xb4: {  	v10 =	vmov @!p1 s29;
	v11 =	vlaneseq.u32 @!p1  }
0xb5: {  	vm6 =	veq.s32 @!p1 v10, v11  }
0xb6: {  	v9 =	vnsel @!p1 vm6, $0x0, v9  }
0xb7: {  	(xrf0) =	vadd.scan.msk.s32 @!p1 $0xffff, v9;
	_ =	sdelay $0x5  }
0xb8: {  	v9, _, _ =	vpop @!p1 (xrf0)  }
0xb9: {  	(v2sf) =	vpush @!p1 v9, $0xF;
	_ =	sdelay $0xe  }
0xba: {  	s31 =	spop @!p1 (v2sf)  }
0xbb: {  	s1 =	simm.s32 @!p1 $0x7A1400;
	s31 =	sand.u32 @!p1 $0xFFFFF80, s31  }
0xbc: {  	s2 =	sor.u32 @!p1 $0x200, s28;
	s3 =	simm.s32 @!p1 $0x400;
	s31 =	sadd.s32 @!p1 s0, s31  }
0xbd: {  	[tilespmem:s2], [sflag:$0x1] =	stream.strided.gather @!p1 [hbm4b:s31+s3], $0x2000, s1, s3, $0x38;
	[tilespmem:$0x18200] =	vst v63  }
0xbe: {  	v9 =	vld @!p1 [tilespmem:s30+$0x0];
	_ =	sdelay $0x1  }
0xbf: {  	s2 =	sor.u32 @!p1 $0x1, s29  }
0xc0: {  	v10 =	vmov @!p1 s2  }
0xc1: {  	vm6 =	veq.s32 @!p1 v10, v11  }
0xc2: {  	v9 =	vnsel @!p1 vm6, $0x0, v9  }
0xc3: {  	(xrf0) =	vadd.scan.msk.s32 @!p1 $0xffff, v9;
	_ =	sdelay $0x5  }
0xc4: {  	v9, _, _ =	vpop @!p1 (xrf0)  }
0xc5: {  	(v2sf) =	vpush @!p1 v9, $0xF;
	_ =	sdelay $0xe  }
0xc6: {  	s2 =	spop @!p1 (v2sf)  }
0xc7: {  	s2 =	sand.u32 @!p1 $0xFFFFF80, s2  }
0xc8: {  	s28 =	sor.u32 @!p1 $0x2200, s28;
	s2 =	sadd.s32 @!p1 s0, s2  }
0xc9: {  	[tilespmem:s28], [sflag:$0x1] =	stream.strided.gather @!p1 [hbm4b:s2+s3], $0x2000, s1, s3, $0x38;
	[tilespmem:$0x18200] =	vst v63  }
0xca: {  	_ =	swait.ge [sflag:s16], $0x2000  }
0xcb: {  	[sflag:s16] =	ssyncset.done $0x0  }
0xcc: {  	[sflag:s16] =	ssyncadd.s32 $0xFFFFE000  }
0xcd: {  	s1 =	sadd.s32 $0xFFFFFFE8, s23;
	_ =	swait.ge [sflag:s16], $0x2000  }
0xce: {  	s1 =	sand.u32 $0x7C0, s1;
	[sflag:s16] =	ssyncset.done $0x0  }
0xcf: {  	s28 =	sshrl.u32 s1, $0x2;
	[sflag:s16] =	ssyncadd.s32 $0xFFFFE000  }
0xd0: {  	v9 =	vld [tilespmem:s28+$0x0]  }
0xd1: {  	s1 =	sadd.s32 $0xFFFFFFFA, s21  }
0xd2: {  	s2 =	sand.u32 $0xE, s1;
	v10 =	vmov s1  }
0xd3: {  	v11 =	vmov s2;
	v12 =	vand.u32 $0x7E, v10;
	v10 =	vshll.u32 v10, $0x3;
	s1 =	sor.u32 $0x1, s2  }
0xd4: {  	vm6 =	veq.s32 v11, v0;
	v10 =	vand.u32 $0xC00, v10;
	v11 =	vmov s1  }
0xd5: {  	v10 =	vor.u32 v12, v10;
	v9 =	vnsel vm6, $0x0, v9  }
0xd6: {  	(xrf0) =	vadd.scan.msk.s32 $0xffff, v9;
	_ =	sdelay $0x5  }
0xd7: {  	v9, _, _ =	vpop (xrf0)  }
0xd8: {  	(v2sf) =	vpush v9, $0xF;
	_ =	sdelay $0xe  }
0xd9: {  	s1 =	spop (v2sf)  }
0xda: {  	s1 =	sand.u32 $0x7F, s1  }
0xdb: {  	v9 =	vor.u32 s1, v1;
	_ =	sdelay $0x1  }
0xdc: {  	s2 =	sadd.s32 $0xFFFF4000, s22  }
0xdd: {  	s29 =	sand.u32 $0xC000, s2  }
0xde: {  	s2 =	sor.u32 $0x200, s29  }
0xdf: {  	v9 =	vld.idx.msk [tilespmem:v9+s2+$0x0], $0xffff  }
0xe0: {  	v12 =	vor.u32 v2, v10  }
0xe1: {  	v13 =	vor.u32 s1, v6;
	_ =	sdelay $0x3  }
0xe2: {  	[tilespmem:v12+s17+$0x0] =	vst.idx.msk $0xffff, v9  }
0xe3: {  	v9 =	vld.idx.msk [tilespmem:v13+s2+$0x0], $0xffff  }
0xe4: {  	v12 =	vor.u32 v3, v10  }
0xe5: {  	v13 =	vor.u32 s1, v7;
	_ =	sdelay $0x3  }
0xe6: {  	[tilespmem:v12+s17+$0x0] =	vst.idx.msk $0xffff, v9  }
0xe7: {  	v9 =	vld.idx.msk [tilespmem:v13+s2+$0x0], $0xffff  }
0xe8: {  	v12 =	vor.u32 v4, v10  }
0xe9: {  	v13 =	vor.u32 s1, v8;
	_ =	sdelay $0x3  }
0xea: {  	[tilespmem:v12+s17+$0x0] =	vst.idx.msk $0xffff, v9  }
0xeb: {  	v9 =	vld.idx.msk [tilespmem:v13+s2+$0x0], $0xffff  }
0xec: {  	v10 =	vor.u32 v5, v10;
	_ =	sdelay $0x4  }
0xed: {  	[tilespmem:v10+s17+$0x0] =	vst.idx.msk $0xffff, v9  }
0xee: {  	v9 =	vld [tilespmem:s28+$0x0];
	_ =	sdelay $0x3  }
0xef: {  	vm6 =	veq.s32 v11, v0  }
0xf0: {  	v9 =	vnsel vm6, $0x0, v9  }
0xf1: {  	(xrf0) =	vadd.scan.msk.s32 $0xffff, v9;
	_ =	sdelay $0x5  }
0xf2: {  	v9, _, _ =	vpop (xrf0)  }
0xf3: {  	(v2sf) =	vpush v9, $0xF;
	_ =	sdelay $0xe  }
0xf4: {  	s1 =	spop (v2sf)  }
0xf5: {  	s1 =	sand.u32 $0x7F, s1  }
0xf6: {  	v9 =	vor.u32 s1, v1  }
0xf7: {  	s2 =	sadd.s32 $0xFFFFFFFB, s21;
	s21 =	smov.u32 s26  }
0xf8: {  	v10 =	vmov s2  }
0xf9: {  	v11 =	vshll.u32 v10, $0x3  }
0xfa: {  	s2 =	sor.u32 $0x2200, s29;
	v10 =	vand.u32 $0x7F, v10;
	v11 =	vand.u32 $0xC00, v11  }
0xfb: {  	v10 =	vor.u32 v10, v11;
	v9 =	vld.idx.msk [tilespmem:v9+s2+$0x0], $0xffff  }
0xfc: {  	v11 =	vor.u32 v2, v10  }
0xfd: {  	v12 =	vor.u32 s1, v6;
	_ =	sdelay $0x3  }
0xfe: {  	[tilespmem:v11+s17+$0x0] =	vst.idx.msk $0xffff, v9  }
0xff: {  	v9 =	vld.idx.msk [tilespmem:v12+s2+$0x0], $0xffff  }
0x100: {  	v11 =	vor.u32 v3, v10  }
0x101: {  	v12 =	vor.u32 s1, v7;
	_ =	sdelay $0x3  }
0x102: {  	[tilespmem:v11+s17+$0x0] =	vst.idx.msk $0xffff, v9  }
0x103: {  	v9 =	vld.idx.msk [tilespmem:v12+s2+$0x0], $0xffff  }
0x104: {  	v11 =	vor.u32 v4, v10  }
0x105: {  	v12 =	vor.u32 s1, v8;
	_ =	sdelay $0x3  }
0x106: {  	[tilespmem:v11+s17+$0x0] =	vst.idx.msk $0xffff, v9  }
0x107: {  	v9 =	vld.idx.msk [tilespmem:v12+s2+$0x0], $0xffff  }
.Ltmp0:
0x108: {  	v10 =	vor.u32 v5, v10;
	(pc) =	sbr.rel @p0 .LBB2_2-.Ltmp0, $4  }
0x109: {  	_ = 	snop  }
0x10a: {  	s25 =	sadd.s32 $0x1, s25  }
0x10b: {  	p1 =	sgt.u32 s25, $0xFC;
	s23 =	sadd.s32 $0x8, s23;
	s22 =	sadd.s32 $0x4000, s22  }
0x10c: {  	s26 =	sshrl.u32 @!p1 s23, $0x2;
	s29 =	sand.u32 @!p1 $0xE, s21;
	s28 =	sand.u32 @!p1 $0xC000, s22  }
0x10d: {  	_ =	sdelay $0x3  }
0x10e: {  	s1 =	sand.u32 @!p1 $0x3F0, s26;
	[tilespmem:v10+s17+$0x0] =	vst.idx.msk $0xffff, v9  }
0x10f: {  	v9 =	vld @!p1 [tilespmem:s1+$0x0];
	_ =	sdelay $0x2  }
0x110: {  	v10 =	vmov @!p1 s29;
	v11 =	vlaneseq.u32 @!p1  }
0x111: {  	vm6 =	veq.s32 @!p1 v10, v11  }
0x112: {  	v9 =	vnsel @!p1 vm6, $0x0, v9  }
0x113: {  	(xrf0) =	vadd.scan.msk.s32 @!p1 $0xffff, v9;
	_ =	sdelay $0x5  }
0x114: {  	v9, _, _ =	vpop @!p1 (xrf0)  }
0x115: {  	(v2sf) =	vpush @!p1 v9, $0xF;
	_ =	sdelay $0xe  }
0x116: {  	s2 =	spop @!p1 (v2sf)  }
0x117: {  	s3 =	simm.s32 @!p1 $0x7A1400;
	s2 =	sand.u32 @!p1 $0xFFFFF80, s2  }
0x118: {  	s24 =	sor.u32 @!p1 $0x200, s28;
	s25 =	simm.s32 @!p1 $0x400;
	s2 =	sadd.s32 @!p1 s0, s2  }
0x119: {  	[tilespmem:s24], [sflag:$0x1] =	stream.strided.gather @!p1 [hbm4b:s2+s25], $0x2000, s3, s25, $0x38;
	[tilespmem:$0x18200] =	vst v63  }
0x11a: {  	v9 =	vld @!p1 [tilespmem:s1+$0x0];
	_ =	sdelay $0x1  }
0x11b: {  	s1 =	sor.u32 @!p1 $0x1, s29  }
0x11c: {  	v10 =	vmov @!p1 s1  }
0x11d: {  	vm6 =	veq.s32 @!p1 v10, v11  }
0x11e: {  	v9 =	vnsel @!p1 vm6, $0x0, v9  }
0x11f: {  	(xrf0) =	vadd.scan.msk.s32 @!p1 $0xffff, v9;
	_ =	sdelay $0x5  }
0x120: {  	v9, _, _ =	vpop @!p1 (xrf0)  }
0x121: {  	(v2sf) =	vpush @!p1 v9, $0xF;
	_ =	sdelay $0xe  }
0x122: {  	s1 =	spop @!p1 (v2sf)  }
0x123: {  	s1 =	sand.u32 @!p1 $0xFFFFF80, s1  }
0x124: {  	s2 =	sor.u32 @!p1 $0x2200, s28;
	s1 =	sadd.s32 @!p1 s0, s1  }
0x125: {  	[tilespmem:s2], [sflag:$0x1] =	stream.strided.gather @!p1 [hbm4b:s1+s25], $0x2000, s3, s25, $0x38;
	[tilespmem:$0x18200] =	vst v63  }
0x126: {  	_ =	swait.ge [sflag:s16], $0x2000  }
0x127: {  	[sflag:s16] =	ssyncset.done $0x0  }
0x128: {  	[sflag:s16] =	ssyncadd.s32 $0xFFFFE000  }
0x129: {  	s2 =	sadd.s32 $0xFFFFFFE8, s23;
	_ =	swait.ge [sflag:s16], $0x2000  }
0x12a: {  	s1 =	sand.u32 $0x7C0, s2;
	[sflag:s16] =	ssyncset.done $0x0  }
0x12b: {  	s1 =	sshrl.u32 s1, $0x2;
	[sflag:s16] =	ssyncadd.s32 $0xFFFFE000  }
0x12c: {  	v9 =	vld [tilespmem:s1+$0x0]  }
0x12d: {  	s3 =	sadd.s32 $0xFFFFFFFA, s21  }
0x12e: {  	s24 =	sand.u32 $0xE, s3  }
0x12f: {  	v10 =	vmov s24  }
0x130: {  	vm6 =	veq.s32 v10, v0  }
0x131: {  	v9 =	vnsel vm6, $0x0, v9  }
0x132: {  	(xrf0) =	vadd.scan.msk.s32 $0xffff, v9;
	_ =	sdelay $0x5  }
0x133: {  	v9, _, _ =	vpop (xrf0)  }
0x134: {  	(v2sf) =	vpush v9, $0xF;
	_ =	sdelay $0xe  }
0x135: {  	s25 =	spop (v2sf)  }
0x136: {  	s23 =	sand.u32 $0x7F, s25  }
0x137: {  	v9 =	vor.u32 s23, v1  }
0x138: {  	v10 =	vmov s3  }
0x139: {  	s26 =	sadd.s32 $0xFFFF4000, s22;
	v11 =	vshll.u32 v10, $0x3  }
0x13a: {  	s2 =	sand.u32 $0xC000, s26;
	v10 =	vand.u32 $0x7E, v10;
	v11 =	vand.u32 $0xC00, v11  }
0x13b: {  	s28 =	sor.u32 $0x200, s2;
	v10 =	vor.u32 v10, v11  }
0x13c: {  	v11 =	vor.u32 v2, v10;
	v9 =	vld.idx.msk [tilespmem:v9+s28+$0x0], $0xffff  }
0x13d: {  	v12 =	vor.u32 s23, v6;
	_ =	sdelay $0x3  }
0x13e: {  	[tilespmem:v11+s17+$0x0] =	vst.idx.msk $0xffff, v9  }
0x13f: {  	v11 =	vor.u32 v3, v10;
	v9 =	vld.idx.msk [tilespmem:v12+s28+$0x0], $0xffff  }
0x140: {  	v59 =	vor.u32 s23, v7;
	_ =	sdelay $0x3  }
0x141: {  	[tilespmem:v11+s17+$0x0] =	vst.idx.msk $0xffff, v9  }
0x142: {  	v11 =	vor.u32 v4, v10;
	v9 =	vld.idx.msk [tilespmem:v59+s28+$0x0], $0xffff  }
0x143: {  	v60 =	vor.u32 s23, v8;
	_ =	sdelay $0x3  }
0x144: {  	[tilespmem:v11+s17+$0x0] =	vst.idx.msk $0xffff, v9  }
0x145: {  	v10 =	vor.u32 v5, v10;
	v9 =	vld.idx.msk [tilespmem:v60+s28+$0x0], $0xffff;
	_ =	sdelay $0x4  }
0x146: {  	[tilespmem:v10+s17+$0x0] =	vst.idx.msk $0xffff, v9  }
0x147: {  	v9 =	vld [tilespmem:s1+$0x0];
	_ =	sdelay $0x1  }
0x148: {  	s29 =	sor.u32 $0x1, s24  }
0x149: {  	v10 =	vmov s29  }
0x14a: {  	vm6 =	veq.s32 v10, v0  }
0x14b: {  	v9 =	vnsel vm6, $0x0, v9  }
0x14c: {  	(xrf0) =	vadd.scan.msk.s32 $0xffff, v9;
	_ =	sdelay $0x5  }
0x14d: {  	v9, _, _ =	vpop (xrf0)  }
0x14e: {  	(v2sf) =	vpush v9, $0xF;
	_ =	sdelay $0xe  }
0x14f: {  	s30 =	spop (v2sf)  }
0x150: {  	s1 =	sand.u32 $0x7F, s30  }
0x151: {  	s31 =	sadd.s32 $0xFFFFFFFB, s21;
	v9 =	vor.u32 s1, v1  }
0x152: {  	v10 =	vmov s31  }
0x153: {  	v11 =	vshll.u32 v10, $0x3  }
0x154: {  	v10 =	vand.u32 $0x7F, v10;
	v11 =	vand.u32 $0xC00, v11  }
0x155: {  	s2 =	sor.u32 $0x2200, s2;
	v10 =	vor.u32 v10, v11  }
0x156: {  	v11 =	vor.u32 v2, v10;
	v9 =	vld.idx.msk [tilespmem:v9+s2+$0x0], $0xffff  }
0x157: {  	v61 =	vor.u32 s1, v6;
	_ =	sdelay $0x3  }
0x158: {  	[tilespmem:v11+s17+$0x0] =	vst.idx.msk $0xffff, v9  }
0x159: {  	v11 =	vor.u32 v3, v10;
	v9 =	vld.idx.msk [tilespmem:v61+s2+$0x0], $0xffff  }
0x15a: {  	v62 =	vor.u32 s1, v7;
	_ =	sdelay $0x3  }
0x15b: {  	[tilespmem:v11+s17+$0x0] =	vst.idx.msk $0xffff, v9  }
0x15c: {  	v11 =	vor.u32 v4, v10;
	v9 =	vld.idx.msk [tilespmem:v62+s2+$0x0], $0xffff  }
0x15d: {  	v63 =	vor.u32 s1, v8;
	_ =	sdelay $0x3  }
0x15e: {  	[tilespmem:v11+s17+$0x0] =	vst.idx.msk $0xffff, v9  }
0x15f: {  	v10 =	vor.u32 v5, v10;
	v9 =	vld.idx.msk [tilespmem:v63+s2+$0x0], $0xffff;
	_ =	sdelay $0x2  }
0x160: {  	s20 =	sadd.s32 $0x1, s20  }
0x161: {  	p0 =	sne.s32 s20, s6  }
.Ltmp1:
0x162: {  	[tilespmem:v10+s17+$0x0] =	vst.idx.msk $0xffff, v9;
	(pc) =	sbr.rel @p0 .LBB2_1-.Ltmp1, $4  }
0x163: {  	[hbm4b:s5+s18] =	stream.strided.scatter [tilespmem:s17], [sflag:$0x2], $0x8000, s19, s18, $0x38;
	[tilespmem:$0x18200] =	vst v63  }
0x164: {  	_ =	swait.ge [sflag:s7], $0x8000  }
0x165: {  	[sflag:s7] =	ssyncset.done $0x0  }
0x166: {  	[sflag:s7] =	ssyncadd.s32 $0xFFFF8000  }
0x167: {  	_ =	sfence.sel $0x180000  }
0x168: {  	[bflag:$0x0] =	sbarrier.arrive $0xFFFF  }
0x169: {  	_ =	strace $0x90000047  }
0x16a: {  	s0 =	stileid.u32;
	[bflag:$0x2] =	sbarrier.arrive $0xFFFF  }
0x16b: {  	p0 =	sne.s32 s0, $0x0;
	s0 =	rddreg [dreg:$0x3]  }
0x16c: {  	s0 =	sadd.s32 @!p0 $0x100000, s0  }
0x16d: {  	[sflag:s0] =	ssyncadd.tile.s32 @!p0 $0x1;
	_ =	shalt  }
.Lfunc_end2:
_tile_overlayer_lowered:
.L_overlay_start_2:
0x16e: {  	(tag) =	ssettag $0x2  }
0x16f: {  	s0 =	rddreg [dreg:$0x0];
	s2 =	stileid.u32  }
0x170: {  	s1 =	rddreg [dreg:$0x1];
	p0 =	sne.s32 s2, $0x0  }
0x171: {  	s3 =	rddreg [dreg:$0x2];
	[bflag:$0x3] =	sbarrier.arrive $0xFFFF;
	s2 =	simm.s32 @!p0 $0x1C02  }
0x172: {  	[timem:s3], [sflag:s2] =	dma.local @!p0 [hbm:s0], s1  }
0x173: {  	s0 =	simm.s32 @!p0 $0x2  }
0x174: {  	_ =	swait.ge @!p0 [sflag:s0], s1  }
0x175: {  	s1 =	ssub.s32 @!p0 $0x0, s1;
	[sflag:s0] =	ssyncset.done @!p0 $0x0  }
0x176: {  	[sflag:s0] =	ssyncadd.s32 @!p0 s1  }
0x177: {  	[bflag:$0x3] =	sbarrier.arrive $0xFFFF  }
0x178: {  	_ =	shalt  }

</sc_bundles>
